<compile_context>
chip_gen: v7x
topology: tpu7x:2x2x1
jax: 0.10.2.dev20260603
libtpu: 0.0.44.dev20260713+nightly
codegen_flags: <defaults>
</compile_context>

<pallas_src>
import jax
import jax.numpy as jnp
from jax import lax
from jax.experimental import pallas as pl
from jax.experimental.pallas import tpu as pltpu
from jax.experimental.pallas import tpu_sc as plsc

MAXLEN = 200
EMBED = 32

_info = plsc.get_sparse_core_info()
NC, NS = _info.num_cores, _info.num_subcores
NW = NC * NS

CHUNK = 800
GATHER = 128
_SEQ_SPLITS = [(0, 128), (128, 72)]


def _body(x_hbm, tok_hbm, pos_hbm, out_hbm,
          idx_all, buf0, buf1, pos_rep,
          idx_sem, init_sem, gat_sem, out_sem):
    n_rows = x_hbm.shape[0]
    seqlen = pos_hbm.shape[0]
    per_w = n_rows // NW
    n_chunks = per_w // CHUNK
    bchunk = CHUNK // seqlen

    sid = lax.axis_index("s")
    wid = sid * NC + lax.axis_index("c")
    base = pl.multiple_of(wid * per_w, 8)

    @pl.when(sid == 0)
    def _stage():
        for k in range(CHUNK // seqlen):
            pltpu.sync_copy(pos_hbm, pos_rep.at[k])

    plsc.subcore_barrier()

    bufs = (buf0, buf1)

    def issue_init(buf):
        pltpu.async_copy(pos_rep, buf, init_sem)

    def wait_init(buf):
        pltpu.make_async_copy(out_hbm.at[pl.ds(0, bchunk)], buf, init_sem).wait()

    def wait_out(buf):
        pltpu.make_async_copy(out_hbm.at[pl.ds(0, bchunk)], buf, out_sem).wait()

    def do_chunk(c, s, prefetch_next, first):
        buf, obuf = bufs[s], bufs[1 - s]
        off = pl.multiple_of(c * CHUNK, 8)
        wait_init(buf)
        descs = []
        for b in range(bchunk):
            for o, ln in _SEQ_SPLITS:
                descs.append(pltpu.async_copy(
                    tok_hbm.at[idx_all.at[pl.ds(off + b * seqlen + o, ln)]],
                    buf.at[b, pl.ds(o, ln)],
                    gat_sem, add=True))
        if prefetch_next:
            if not first:
                wait_out(obuf)
            issue_init(obuf)
        for d in descs:
            d.wait()
        bstart = (base + off) // seqlen
        pltpu.async_copy(buf, out_hbm.at[pl.ds(bstart, bchunk)], out_sem)

    idx_desc = pltpu.async_copy(x_hbm.at[pl.ds(base, per_w)], idx_all, idx_sem)
    issue_init(buf0)
    idx_desc.wait()

    do_chunk(0, 0, True, True)

    def pair_body(g, _):
        do_chunk(2 * g + 1, 1, True, False)
        do_chunk(2 * g + 2, 0, True, False)
        return 0

    lax.fori_loop(0, (n_chunks - 2) // 2, pair_body, 0)

    do_chunk(n_chunks - 1, 1, False, False)

    wait_out(buf0)
    wait_out(buf1)


CONV_S = 1024


def _conv_body(in_ref, out_ref):
    parts = [jnp.transpose(in_ref[:, c * CONV_S:(c + 1) * CONV_S], (1, 0))
             for c in range(4)]
    out_ref[...] = jnp.concatenate(parts, axis=1)


def _convert_table(token_table):
    vocab = token_table.shape[0]
    grid = (vocab + 4 * CONV_S - 1) // (4 * CONV_S)
    n_out = grid * CONV_S
    conv = pl.pallas_call(
        _conv_body,
        grid=(grid,),
        in_specs=[pl.BlockSpec((32, 4 * CONV_S), lambda i: (0, i))],
        out_specs=pl.BlockSpec((CONV_S, 128), lambda i: (i, 0)),
        out_shape=jax.ShapeDtypeStruct((n_out, 128), jnp.float32),
    )
    return jnp.reshape(conv(token_table.T), (4 * n_out, 32))


def _remap_indices(v):
    return (v & -4096) | ((v & 1023) << 2) | ((v >> 10) & 3)


def _gather_slab(x_slab_flat, tok_rm, pos_slab, n_rows, batch):
    mesh = plsc.VectorSubcoreMesh(core_axis_name="c", subcore_axis_name="s")
    seqlen = pos_slab.shape[0]
    k = pl.kernel(
        _body,
        out_type=jax.ShapeDtypeStruct((batch, seqlen, EMBED), jnp.float32),
        mesh=mesh,
        compiler_params=pltpu.CompilerParams(use_tc_tiling_on_sc=False),
        scratch_types=[
            pltpu.VMEM((n_rows // NW,), jnp.int32),
            pltpu.VMEM((CHUNK // seqlen, seqlen, EMBED), jnp.float32),
            pltpu.VMEM((CHUNK // seqlen, seqlen, EMBED), jnp.float32),
            pltpu.VMEM_SHARED((CHUNK // seqlen, seqlen, EMBED), jnp.float32),
            pltpu.SemaphoreType.DMA,
            pltpu.SemaphoreType.DMA,
            pltpu.SemaphoreType.DMA,
            pltpu.SemaphoreType.DMA,
        ],
    )
    return k(x_slab_flat, tok_rm, pos_slab)


def kernel(x, token_table, pos_table):
    batch, seqlen = x.shape
    tok_rm = _convert_table(token_table)
    xf = _remap_indices(x.reshape(batch * seqlen).astype(jnp.int32))
    return _gather_slab(xf, tok_rm, pos_table, batch * seqlen, batch)

# --- scband reference (transcript-rebuilt; emitter-appended) ---
"""Pipeline reference for scband-token-and-position-embedding-27771258536911 (READ-ONLY COPY).

The authoritative reference and input builder live on the scoring server;
editing this copy changes nothing except your own understanding.
"""

import jax, jax.numpy as jnp
import numpy as np

MAXLEN = 200
VOCAB = 1000000
EMBED = 32
BATCH = 4096


def setup_inputs(seed: int = 0) -> dict:
    key = jax.random.key(seed)
    k1, k2, k3 = jax.random.split(key, 3)
    x = jax.random.randint(k1, (BATCH, MAXLEN), 0, VOCAB, dtype=jnp.int64 if jax.config.jax_enable_x64 else jnp.int32)
    token_table = jax.random.normal(k2, (VOCAB, EMBED), dtype=jnp.float32) * 0.02
    pos_table = jax.random.normal(k3, (MAXLEN, EMBED), dtype=jnp.float32) * 0.02
    return {"x": x, "token_table": token_table, "pos_table": pos_table}


def reference(x, token_table, pos_table):
    # token embedding lookup: (B, L) -> (B, L, D)
    tok = jnp.take(token_table, x, axis=0)
    # position embedding: positions = range(L); lookup -> (L, D), broadcast add
    seqlen = x.shape[-1]
    positions = jnp.arange(seqlen)
    pos = jnp.take(pos_table, positions, axis=0)
    return tok + pos[None, :, :]

if __name__ == "__main__":
    import jax
    _d = setup_inputs()
    print(jax.jit(kernel)(*tuple(_d.values())))

</pallas_src>

<mosaic_0001>
#map = affine_map<(d0, d1) -> (0)>
#map1 = affine_map<(d0, d1) -> (0, 0)>
#map2 = affine_map<(d0, d1) -> (0, 0, 0)>
module attributes {stable_mosaic.version = 14 : i64} {
  func.func @_body(%arg0: i32, %arg1: i32, %arg2: memref<819200xi32, #tpu.memory_space<hbm>>, %arg3: memref<1003520x32xf32, #tpu.memory_space<hbm>>, %arg4: memref<200x32xf32, #tpu.memory_space<hbm>>, %arg5: memref<4096x200x32xf32, #tpu.memory_space<hbm>>, %arg6: memref<25600xi32, #tpu.memory_space<vmem>>, %arg7: memref<4x200x32xf32, #tpu.memory_space<vmem>>, %arg8: memref<4x200x32xf32, #tpu.memory_space<vmem>>, %arg9: memref<4x200x32xf32, #tpu.memory_space<vmem_shared>>, %arg10: memref<!tpu.dma_semaphore, #tpu.memory_space<semaphore_mem>>, %arg11: memref<!tpu.dma_semaphore, #tpu.memory_space<semaphore_mem>>, %arg12: memref<!tpu.dma_semaphore, #tpu.memory_space<semaphore_mem>>, %arg13: memref<!tpu.dma_semaphore, #tpu.memory_space<semaphore_mem>>) attributes {dimension_semantics = [#tpu.dimension_semantics<core_parallel>, #tpu.dimension_semantics<subcore_parallel>], iteration_bounds = array<i64: 2, 16>, scalar_prefetch = 0 : i64, scratch_operands = 8 : i64, tpu.core_type = #tpu.core_type<sc_vector_subcore>, window_params = [{transform_indices = #map}, {transform_indices = #map1}, {transform_indices = #map1}, {transform_indices = #map2}]} {
    %mul3A = arith.constant 2 : i32
    %mul3A_0 = arith.muli %arg1, %mul3A : i32
    %add3A = arith.addi %mul3A_0, %arg0 : i32
    %mul3A_1 = arith.constant 25600 : i32
    %mul3A_2 = arith.muli %add3A, %mul3A_1 : i32
    %multiple_of3A = tpu.assume_multiple %mul3A_2, 8 : i32
    %eq3A = arith.constant 0 : i32
    %eq3A_3 = arith.cmpi eq, %arg1, %eq3A : i32
    %convert_element_type3A = arith.extui %eq3A_3 : i1 to i32
    %cond3A = arith.constant 0 : i32
    %cond3A_4 = arith.cmpi ne, %convert_element_type3A, %cond3A : i32
    scf.if %cond3A_4 {
      %run_scoped3A = arith.constant 0 : i32
      "tpu.region"() ({
        %run_scoped3A_458 = tpu.sem_alloc : memref<!tpu.dma_semaphore, #tpu.memory_space<semaphore_mem>>
        %dma_start3A_459 = arith.constant 0 : i32
        %dma_start3A_460 = arith.constant 0 : i32
        %dma_start3A_461 = tpu.memref_slice %arg9[%run_scoped3A, %dma_start3A_459, %dma_start3A_460] : memref<4x200x32xf32, #tpu.memory_space<vmem_shared>> -> memref<1x200x32xf32, #tpu.memory_space<vmem_shared>>
        %dma_start3A_462 = tpu.memref_squeeze %dma_start3A_461 : memref<1x200x32xf32, #tpu.memory_space<vmem_shared>> -> memref<200x32xf32, #tpu.memory_space<vmem_shared>>
        tpu.enqueue_dma source(%arg4 : memref<200x32xf32, #tpu.memory_space<hbm>>) target(%dma_start3A_462 : memref<200x32xf32, #tpu.memory_space<vmem_shared>>) target_semaphore(%run_scoped3A_458 : memref<!tpu.dma_semaphore, #tpu.memory_space<semaphore_mem>>)
        %dma_wait3A_463 = arith.constant 0 : i32
        %dma_wait3A_464 = arith.constant 0 : i32
        %dma_wait3A_465 = tpu.memref_slice %arg9[%run_scoped3A, %dma_wait3A_463, %dma_wait3A_464] : memref<4x200x32xf32, #tpu.memory_space<vmem_shared>> -> memref<1x200x32xf32, #tpu.memory_space<vmem_shared>>
        %dma_wait3A_466 = tpu.memref_squeeze %dma_wait3A_465 : memref<1x200x32xf32, #tpu.memory_space<vmem_shared>> -> memref<200x32xf32, #tpu.memory_space<vmem_shared>>
        tpu.wait_dma2 semaphore(%run_scoped3A_458 : memref<!tpu.dma_semaphore, #tpu.memory_space<semaphore_mem>>) src(%arg4 : memref<200x32xf32, #tpu.memory_space<hbm>>) dst(%dma_wait3A_466 : memref<200x32xf32, #tpu.memory_space<vmem_shared>>)
        tpu.yield
      }) : () -> ()
      %run_scoped3A_455 = arith.constant 1 : i32
      "tpu.region"() ({
        %run_scoped3A_458 = tpu.sem_alloc : memref<!tpu.dma_semaphore, #tpu.memory_space<semaphore_mem>>
        %dma_start3A_459 = arith.constant 0 : i32
        %dma_start3A_460 = arith.constant 0 : i32
        %dma_start3A_461 = tpu.memref_slice %arg9[%run_scoped3A_455, %dma_start3A_459, %dma_start3A_460] : memref<4x200x32xf32, #tpu.memory_space<vmem_shared>> -> memref<1x200x32xf32, #tpu.memory_space<vmem_shared>>
        %dma_start3A_462 = tpu.memref_squeeze %dma_start3A_461 : memref<1x200x32xf32, #tpu.memory_space<vmem_shared>> -> memref<200x32xf32, #tpu.memory_space<vmem_shared>>
        tpu.enqueue_dma source(%arg4 : memref<200x32xf32, #tpu.memory_space<hbm>>) target(%dma_start3A_462 : memref<200x32xf32, #tpu.memory_space<vmem_shared>>) target_semaphore(%run_scoped3A_458 : memref<!tpu.dma_semaphore, #tpu.memory_space<semaphore_mem>>)
        %dma_wait3A_463 = arith.constant 0 : i32
        %dma_wait3A_464 = arith.constant 0 : i32
        %dma_wait3A_465 = tpu.memref_slice %arg9[%run_scoped3A_455, %dma_wait3A_463, %dma_wait3A_464] : memref<4x200x32xf32, #tpu.memory_space<vmem_shared>> -> memref<1x200x32xf32, #tpu.memory_space<vmem_shared>>
        %dma_wait3A_466 = tpu.memref_squeeze %dma_wait3A_465 : memref<1x200x32xf32, #tpu.memory_space<vmem_shared>> -> memref<200x32xf32, #tpu.memory_space<vmem_shared>>
        tpu.wait_dma2 semaphore(%run_scoped3A_458 : memref<!tpu.dma_semaphore, #tpu.memory_space<semaphore_mem>>) src(%arg4 : memref<200x32xf32, #tpu.memory_space<hbm>>) dst(%dma_wait3A_466 : memref<200x32xf32, #tpu.memory_space<vmem_shared>>)
        tpu.yield
      }) : () -> ()
      %run_scoped3A_456 = arith.constant 2 : i32
      "tpu.region"() ({
        %run_scoped3A_458 = tpu.sem_alloc : memref<!tpu.dma_semaphore, #tpu.memory_space<semaphore_mem>>
        %dma_start3A_459 = arith.constant 0 : i32
        %dma_start3A_460 = arith.constant 0 : i32
        %dma_start3A_461 = tpu.memref_slice %arg9[%run_scoped3A_456, %dma_start3A_459, %dma_start3A_460] : memref<4x200x32xf32, #tpu.memory_space<vmem_shared>> -> memref<1x200x32xf32, #tpu.memory_space<vmem_shared>>
        %dma_start3A_462 = tpu.memref_squeeze %dma_start3A_461 : memref<1x200x32xf32, #tpu.memory_space<vmem_shared>> -> memref<200x32xf32, #tpu.memory_space<vmem_shared>>
        tpu.enqueue_dma source(%arg4 : memref<200x32xf32, #tpu.memory_space<hbm>>) target(%dma_start3A_462 : memref<200x32xf32, #tpu.memory_space<vmem_shared>>) target_semaphore(%run_scoped3A_458 : memref<!tpu.dma_semaphore, #tpu.memory_space<semaphore_mem>>)
        %dma_wait3A_463 = arith.constant 0 : i32
        %dma_wait3A_464 = arith.constant 0 : i32
        %dma_wait3A_465 = tpu.memref_slice %arg9[%run_scoped3A_456, %dma_wait3A_463, %dma_wait3A_464] : memref<4x200x32xf32, #tpu.memory_space<vmem_shared>> -> memref<1x200x32xf32, #tpu.memory_space<vmem_shared>>
        %dma_wait3A_466 = tpu.memref_squeeze %dma_wait3A_465 : memref<1x200x32xf32, #tpu.memory_space<vmem_shared>> -> memref<200x32xf32, #tpu.memory_space<vmem_shared>>
        tpu.wait_dma2 semaphore(%run_scoped3A_458 : memref<!tpu.dma_semaphore, #tpu.memory_space<semaphore_mem>>) src(%arg4 : memref<200x32xf32, #tpu.memory_space<hbm>>) dst(%dma_wait3A_466 : memref<200x32xf32, #tpu.memory_space<vmem_shared>>)
        tpu.yield
      }) : () -> ()
      %run_scoped3A_457 = arith.constant 3 : i32
      "tpu.region"() ({
        %run_scoped3A_458 = tpu.sem_alloc : memref<!tpu.dma_semaphore, #tpu.memory_space<semaphore_mem>>
        %dma_start3A_459 = arith.constant 0 : i32
        %dma_start3A_460 = arith.constant 0 : i32
        %dma_start3A_461 = tpu.memref_slice %arg9[%run_scoped3A_457, %dma_start3A_459, %dma_start3A_460] : memref<4x200x32xf32, #tpu.memory_space<vmem_shared>> -> memref<1x200x32xf32, #tpu.memory_space<vmem_shared>>
        %dma_start3A_462 = tpu.memref_squeeze %dma_start3A_461 : memref<1x200x32xf32, #tpu.memory_space<vmem_shared>> -> memref<200x32xf32, #tpu.memory_space<vmem_shared>>
        tpu.enqueue_dma source(%arg4 : memref<200x32xf32, #tpu.memory_space<hbm>>) target(%dma_start3A_462 : memref<200x32xf32, #tpu.memory_space<vmem_shared>>) target_semaphore(%run_scoped3A_458 : memref<!tpu.dma_semaphore, #tpu.memory_space<semaphore_mem>>)
        %dma_wait3A_463 = arith.constant 0 : i32
        %dma_wait3A_464 = arith.constant 0 : i32
        %dma_wait3A_465 = tpu.memref_slice %arg9[%run_scoped3A_457, %dma_wait3A_463, %dma_wait3A_464] : memref<4x200x32xf32, #tpu.memory_space<vmem_shared>> -> memref<1x200x32xf32, #tpu.memory_space<vmem_shared>>
        %dma_wait3A_466 = tpu.memref_squeeze %dma_wait3A_465 : memref<1x200x32xf32, #tpu.memory_space<vmem_shared>> -> memref<200x32xf32, #tpu.memory_space<vmem_shared>>
        tpu.wait_dma2 semaphore(%run_scoped3A_458 : memref<!tpu.dma_semaphore, #tpu.memory_space<semaphore_mem>>) src(%arg4 : memref<200x32xf32, #tpu.memory_space<hbm>>) dst(%dma_wait3A_466 : memref<200x32xf32, #tpu.memory_space<vmem_shared>>)
        tpu.yield
      }) : () -> ()
    } else {
    }
    %barrier3A = arith.constant 0 : index
    tpu.barrier barrier_id(%barrier3A)
    %dma_start3A = tpu.memref_slice %arg2[%multiple_of3A] : memref<819200xi32, #tpu.memory_space<hbm>> -> memref<25600xi32, #tpu.memory_space<hbm>>
    %dma_start3A_5 = tpu.memref_slice %arg2[%multiple_of3A] : memref<819200xi32, #tpu.memory_space<hbm>> -> memref<25600xi32, #tpu.memory_space<hbm>>
    tpu.enqueue_dma source(%dma_start3A_5 : memref<25600xi32, #tpu.memory_space<hbm>>) target(%arg6 : memref<25600xi32, #tpu.memory_space<vmem>>) target_semaphore(%arg10 : memref<!tpu.dma_semaphore, #tpu.memory_space<semaphore_mem>>)
    tpu.enqueue_dma source(%arg9 : memref<4x200x32xf32, #tpu.memory_space<vmem_shared>>) target(%arg7 : memref<4x200x32xf32, #tpu.memory_space<vmem>>) target_semaphore(%arg11 : memref<!tpu.dma_semaphore, #tpu.memory_space<semaphore_mem>>)
    %dma_wait3A = tpu.memref_slice %arg2[%multiple_of3A] : memref<819200xi32, #tpu.memory_space<hbm>> -> memref<25600xi32, #tpu.memory_space<hbm>>
    %dma_wait3A_6 = tpu.memref_slice %arg2[%multiple_of3A] : memref<819200xi32, #tpu.memory_space<hbm>> -> memref<25600xi32, #tpu.memory_space<hbm>>
    tpu.wait_dma2 semaphore(%arg10 : memref<!tpu.dma_semaphore, #tpu.memory_space<semaphore_mem>>) src(%dma_wait3A_6 : memref<25600xi32, #tpu.memory_space<hbm>>) dst(%arg6 : memref<25600xi32, #tpu.memory_space<vmem>>)
    %multiple_of3A_7 = arith.constant 0 : i32
    %multiple_of3A_8 = tpu.assume_multiple %multiple_of3A_7, 8 : i32
    %dma_wait3A_9 = arith.constant 0 : i32
    %dma_wait3A_10 = arith.constant 0 : i32
    %dma_wait3A_11 = arith.constant 0 : i32
    %dma_wait3A_12 = tpu.memref_slice %arg5[%dma_wait3A_9, %dma_wait3A_10, %dma_wait3A_11] : memref<4096x200x32xf32, #tpu.memory_space<hbm>> -> memref<4x200x32xf32, #tpu.memory_space<hbm>>
    %dma_wait3A_13 = arith.constant 0 : i32
    %dma_wait3A_14 = arith.constant 0 : i32
    %dma_wait3A_15 = arith.constant 0 : i32
    %dma_wait3A_16 = tpu.memref_slice %arg5[%dma_wait3A_13, %dma_wait3A_14, %dma_wait3A_15] : memref<4096x200x32xf32, #tpu.memory_space<hbm>> -> memref<4x200x32xf32, #tpu.memory_space<hbm>>
    tpu.wait_dma2 semaphore(%arg11 : memref<!tpu.dma_semaphore, #tpu.memory_space<semaphore_mem>>) src(%dma_wait3A_16 : memref<4x200x32xf32, #tpu.memory_space<hbm>>) dst(%arg7 : memref<4x200x32xf32, #tpu.memory_space<vmem>>)
    %add3A_17 = arith.constant 0 : i32
    %add3A_18 = arith.addi %multiple_of3A_8, %add3A_17 : i32
    %add3A_19 = arith.constant 0 : i32
    %add3A_20 = arith.addi %add3A_18, %add3A_19 : i32
    %dma_start3A_21 = arith.constant 0 : i32
    %dma_start3A_22 = arith.constant 0 : i32
    %dma_start3A_23 = arith.constant 0 : i32
    %dma_start3A_24 = tpu.memref_slice %arg7[%dma_start3A_21, %dma_start3A_22, %dma_start3A_23] : memref<4x200x32xf32, #tpu.memory_space<vmem>> -> memref<1x128x32xf32, #tpu.memory_space<vmem>>
    %dma_start3A_25 = tpu.memref_squeeze %dma_start3A_24 : memref<1x128x32xf32, #tpu.memory_space<vmem>> -> memref<128x32xf32, #tpu.memory_space<vmem>>
    %dma_start3A_26 = tpu.memref_slice %arg6[%add3A_20] : memref<25600xi32, #tpu.memory_space<vmem>> -> memref<128xi32, #tpu.memory_space<vmem>>
    %dma_start3A_27 = arith.constant 0 : i32
    %dma_start3A_28 = arith.constant 0 : i32
    %dma_start3A_29 = tpu.memref_slice %arg3[%dma_start3A_27, %dma_start3A_28] : memref<1003520x32xf32, #tpu.memory_space<hbm>> -> memref<1003520x32xf32, #tpu.memory_space<hbm>>
    tpu.enqueue_indirect_dma source(%dma_start3A_29 : memref<1003520x32xf32, #tpu.memory_space<hbm>>) target(%dma_start3A_25 : memref<128x32xf32, #tpu.memory_space<vmem>>) offsets(%dma_start3A_26 : memref<128xi32, #tpu.memory_space<vmem>>) semaphore(%arg12 : memref<!tpu.dma_semaphore, #tpu.memory_space<semaphore_mem>>) {add = true}
    %add3A_30 = arith.constant 0 : i32
    %add3A_31 = arith.addi %multiple_of3A_8, %add3A_30 : i32
    %add3A_32 = arith.constant 128 : i32
    %add3A_33 = arith.addi %add3A_31, %add3A_32 : i32
    %dma_start3A_34 = arith.constant 0 : i32
    %dma_start3A_35 = arith.constant 128 : i32
    %dma_start3A_36 = arith.constant 0 : i32
    %dma_start3A_37 = tpu.memref_slice %arg7[%dma_start3A_34, %dma_start3A_35, %dma_start3A_36] : memref<4x200x32xf32, #tpu.memory_space<vmem>> -> memref<1x72x32xf32, #tpu.memory_space<vmem>>
    %dma_start3A_38 = tpu.memref_squeeze %dma_start3A_37 : memref<1x72x32xf32, #tpu.memory_space<vmem>> -> memref<72x32xf32, #tpu.memory_space<vmem>>
    %dma_start3A_39 = tpu.memref_slice %arg6[%add3A_33] : memref<25600xi32, #tpu.memory_space<vmem>> -> memref<72xi32, #tpu.memory_space<vmem>>
    %dma_start3A_40 = arith.constant 0 : i32
    %dma_start3A_41 = arith.constant 0 : i32
    %dma_start3A_42 = tpu.memref_slice %arg3[%dma_start3A_40, %dma_start3A_41] : memref<1003520x32xf32, #tpu.memory_space<hbm>> -> memref<1003520x32xf32, #tpu.memory_space<hbm>>
    tpu.enqueue_indirect_dma source(%dma_start3A_42 : memref<1003520x32xf32, #tpu.memory_space<hbm>>) target(%dma_start3A_38 : memref<72x32xf32, #tpu.memory_space<vmem>>) offsets(%dma_start3A_39 : memref<72xi32, #tpu.memory_space<vmem>>) semaphore(%arg12 : memref<!tpu.dma_semaphore, #tpu.memory_space<semaphore_mem>>) {add = true}
    %add3A_43 = arith.constant 200 : i32
    %add3A_44 = arith.addi %multiple_of3A_8, %add3A_43 : i32
    %add3A_45 = arith.constant 0 : i32
    %add3A_46 = arith.addi %add3A_44, %add3A_45 : i32
    %dma_start3A_47 = arith.constant 1 : i32
    %dma_start3A_48 = arith.constant 0 : i32
    %dma_start3A_49 = arith.constant 0 : i32
    %dma_start3A_50 = tpu.memref_slice %arg7[%dma_start3A_47, %dma_start3A_48, %dma_start3A_49] : memref<4x200x32xf32, #tpu.memory_space<vmem>> -> memref<1x128x32xf32, #tpu.memory_space<vmem>>
    %dma_start3A_51 = tpu.memref_squeeze %dma_start3A_50 : memref<1x128x32xf32, #tpu.memory_space<vmem>> -> memref<128x32xf32, #tpu.memory_space<vmem>>
    %dma_start3A_52 = tpu.memref_slice %arg6[%add3A_46] : memref<25600xi32, #tpu.memory_space<vmem>> -> memref<128xi32, #tpu.memory_space<vmem>>
    %dma_start3A_53 = arith.constant 0 : i32
    %dma_start3A_54 = arith.constant 0 : i32
    %dma_start3A_55 = tpu.memref_slice %arg3[%dma_start3A_53, %dma_start3A_54] : memref<1003520x32xf32, #tpu.memory_space<hbm>> -> memref<1003520x32xf32, #tpu.memory_space<hbm>>
    tpu.enqueue_indirect_dma source(%dma_start3A_55 : memref<1003520x32xf32, #tpu.memory_space<hbm>>) target(%dma_start3A_51 : memref<128x32xf32, #tpu.memory_space<vmem>>) offsets(%dma_start3A_52 : memref<128xi32, #tpu.memory_space<vmem>>) semaphore(%arg12 : memref<!tpu.dma_semaphore, #tpu.memory_space<semaphore_mem>>) {add = true}
    %add3A_56 = arith.constant 200 : i32
    %add3A_57 = arith.addi %multiple_of3A_8, %add3A_56 : i32
    %add3A_58 = arith.constant 128 : i32
    %add3A_59 = arith.addi %add3A_57, %add3A_58 : i32
    %dma_start3A_60 = arith.constant 1 : i32
    %dma_start3A_61 = arith.constant 128 : i32
    %dma_start3A_62 = arith.constant 0 : i32
    %dma_start3A_63 = tpu.memref_slice %arg7[%dma_start3A_60, %dma_start3A_61, %dma_start3A_62] : memref<4x200x32xf32, #tpu.memory_space<vmem>> -> memref<1x72x32xf32, #tpu.memory_space<vmem>>
    %dma_start3A_64 = tpu.memref_squeeze %dma_start3A_63 : memref<1x72x32xf32, #tpu.memory_space<vmem>> -> memref<72x32xf32, #tpu.memory_space<vmem>>
    %dma_start3A_65 = tpu.memref_slice %arg6[%add3A_59] : memref<25600xi32, #tpu.memory_space<vmem>> -> memref<72xi32, #tpu.memory_space<vmem>>
    %dma_start3A_66 = arith.constant 0 : i32
    %dma_start3A_67 = arith.constant 0 : i32
    %dma_start3A_68 = tpu.memref_slice %arg3[%dma_start3A_66, %dma_start3A_67] : memref<1003520x32xf32, #tpu.memory_space<hbm>> -> memref<1003520x32xf32, #tpu.memory_space<hbm>>
    tpu.enqueue_indirect_dma source(%dma_start3A_68 : memref<1003520x32xf32, #tpu.memory_space<hbm>>) target(%dma_start3A_64 : memref<72x32xf32, #tpu.memory_space<vmem>>) offsets(%dma_start3A_65 : memref<72xi32, #tpu.memory_space<vmem>>) semaphore(%arg12 : memref<!tpu.dma_semaphore, #tpu.memory_space<semaphore_mem>>) {add = true}
    %add3A_69 = arith.constant 400 : i32
    %add3A_70 = arith.addi %multiple_of3A_8, %add3A_69 : i32
    %add3A_71 = arith.constant 0 : i32
    %add3A_72 = arith.addi %add3A_70, %add3A_71 : i32
    %dma_start3A_73 = arith.constant 2 : i32
    %dma_start3A_74 = arith.constant 0 : i32
    %dma_start3A_75 = arith.constant 0 : i32
    %dma_start3A_76 = tpu.memref_slice %arg7[%dma_start3A_73, %dma_start3A_74, %dma_start3A_75] : memref<4x200x32xf32, #tpu.memory_space<vmem>> -> memref<1x128x32xf32, #tpu.memory_space<vmem>>
    %dma_start3A_77 = tpu.memref_squeeze %dma_start3A_76 : memref<1x128x32xf32, #tpu.memory_space<vmem>> -> memref<128x32xf32, #tpu.memory_space<vmem>>
    %dma_start3A_78 = tpu.memref_slice %arg6[%add3A_72] : memref<25600xi32, #tpu.memory_space<vmem>> -> memref<128xi32, #tpu.memory_space<vmem>>
    %dma_start3A_79 = arith.constant 0 : i32
    %dma_start3A_80 = arith.constant 0 : i32
    %dma_start3A_81 = tpu.memref_slice %arg3[%dma_start3A_79, %dma_start3A_80] : memref<1003520x32xf32, #tpu.memory_space<hbm>> -> memref<1003520x32xf32, #tpu.memory_space<hbm>>
    tpu.enqueue_indirect_dma source(%dma_start3A_81 : memref<1003520x32xf32, #tpu.memory_space<hbm>>) target(%dma_start3A_77 : memref<128x32xf32, #tpu.memory_space<vmem>>) offsets(%dma_start3A_78 : memref<128xi32, #tpu.memory_space<vmem>>) semaphore(%arg12 : memref<!tpu.dma_semaphore, #tpu.memory_space<semaphore_mem>>) {add = true}
    %add3A_82 = arith.constant 400 : i32
    %add3A_83 = arith.addi %multiple_of3A_8, %add3A_82 : i32
    %add3A_84 = arith.constant 128 : i32
    %add3A_85 = arith.addi %add3A_83, %add3A_84 : i32
    %dma_start3A_86 = arith.constant 2 : i32
    %dma_start3A_87 = arith.constant 128 : i32
    %dma_start3A_88 = arith.constant 0 : i32
    %dma_start3A_89 = tpu.memref_slice %arg7[%dma_start3A_86, %dma_start3A_87, %dma_start3A_88] : memref<4x200x32xf32, #tpu.memory_space<vmem>> -> memref<1x72x32xf32, #tpu.memory_space<vmem>>
    %dma_start3A_90 = tpu.memref_squeeze %dma_start3A_89 : memref<1x72x32xf32, #tpu.memory_space<vmem>> -> memref<72x32xf32, #tpu.memory_space<vmem>>
    %dma_start3A_91 = tpu.memref_slice %arg6[%add3A_85] : memref<25600xi32, #tpu.memory_space<vmem>> -> memref<72xi32, #tpu.memory_space<vmem>>
    %dma_start3A_92 = arith.constant 0 : i32
    %dma_start3A_93 = arith.constant 0 : i32
    %dma_start3A_94 = tpu.memref_slice %arg3[%dma_start3A_92, %dma_start3A_93] : memref<1003520x32xf32, #tpu.memory_space<hbm>> -> memref<1003520x32xf32, #tpu.memory_space<hbm>>
    tpu.enqueue_indirect_dma source(%dma_start3A_94 : memref<1003520x32xf32, #tpu.memory_space<hbm>>) target(%dma_start3A_90 : memref<72x32xf32, #tpu.memory_space<vmem>>) offsets(%dma_start3A_91 : memref<72xi32, #tpu.memory_space<vmem>>) semaphore(%arg12 : memref<!tpu.dma_semaphore, #tpu.memory_space<semaphore_mem>>) {add = true}
    %add3A_95 = arith.constant 600 : i32
    %add3A_96 = arith.addi %multiple_of3A_8, %add3A_95 : i32
    %add3A_97 = arith.constant 0 : i32
    %add3A_98 = arith.addi %add3A_96, %add3A_97 : i32
    %dma_start3A_99 = arith.constant 3 : i32
    %dma_start3A_100 = arith.constant 0 : i32
    %dma_start3A_101 = arith.constant 0 : i32
    %dma_start3A_102 = tpu.memref_slice %arg7[%dma_start3A_99, %dma_start3A_100, %dma_start3A_101] : memref<4x200x32xf32, #tpu.memory_space<vmem>> -> memref<1x128x32xf32, #tpu.memory_space<vmem>>
    %dma_start3A_103 = tpu.memref_squeeze %dma_start3A_102 : memref<1x128x32xf32, #tpu.memory_space<vmem>> -> memref<128x32xf32, #tpu.memory_space<vmem>>
    %dma_start3A_104 = tpu.memref_slice %arg6[%add3A_98] : memref<25600xi32, #tpu.memory_space<vmem>> -> memref<128xi32, #tpu.memory_space<vmem>>
    %dma_start3A_105 = arith.constant 0 : i32
    %dma_start3A_106 = arith.constant 0 : i32
    %dma_start3A_107 = tpu.memref_slice %arg3[%dma_start3A_105, %dma_start3A_106] : memref<1003520x32xf32, #tpu.memory_space<hbm>> -> memref<1003520x32xf32, #tpu.memory_space<hbm>>
    tpu.enqueue_indirect_dma source(%dma_start3A_107 : memref<1003520x32xf32, #tpu.memory_space<hbm>>) target(%dma_start3A_103 : memref<128x32xf32, #tpu.memory_space<vmem>>) offsets(%dma_start3A_104 : memref<128xi32, #tpu.memory_space<vmem>>) semaphore(%arg12 : memref<!tpu.dma_semaphore, #tpu.memory_space<semaphore_mem>>) {add = true}
    %add3A_108 = arith.constant 600 : i32
    %add3A_109 = arith.addi %multiple_of3A_8, %add3A_108 : i32
    %add3A_110 = arith.constant 128 : i32
    %add3A_111 = arith.addi %add3A_109, %add3A_110 : i32
    %dma_start3A_112 = arith.constant 3 : i32
    %dma_start3A_113 = arith.constant 128 : i32
    %dma_start3A_114 = arith.constant 0 : i32
    %dma_start3A_115 = tpu.memref_slice %arg7[%dma_start3A_112, %dma_start3A_113, %dma_start3A_114] : memref<4x200x32xf32, #tpu.memory_space<vmem>> -> memref<1x72x32xf32, #tpu.memory_space<vmem>>
    %dma_start3A_116 = tpu.memref_squeeze %dma_start3A_115 : memref<1x72x32xf32, #tpu.memory_space<vmem>> -> memref<72x32xf32, #tpu.memory_space<vmem>>
    %dma_start3A_117 = tpu.memref_slice %arg6[%add3A_111] : memref<25600xi32, #tpu.memory_space<vmem>> -> memref<72xi32, #tpu.memory_space<vmem>>
    %dma_start3A_118 = arith.constant 0 : i32
    %dma_start3A_119 = arith.constant 0 : i32
    %dma_start3A_120 = tpu.memref_slice %arg3[%dma_start3A_118, %dma_start3A_119] : memref<1003520x32xf32, #tpu.memory_space<hbm>> -> memref<1003520x32xf32, #tpu.memory_space<hbm>>
    tpu.enqueue_indirect_dma source(%dma_start3A_120 : memref<1003520x32xf32, #tpu.memory_space<hbm>>) target(%dma_start3A_116 : memref<72x32xf32, #tpu.memory_space<vmem>>) offsets(%dma_start3A_117 : memref<72xi32, #tpu.memory_space<vmem>>) semaphore(%arg12 : memref<!tpu.dma_semaphore, #tpu.memory_space<semaphore_mem>>) {add = true}
    tpu.enqueue_dma source(%arg9 : memref<4x200x32xf32, #tpu.memory_space<vmem_shared>>) target(%arg8 : memref<4x200x32xf32, #tpu.memory_space<vmem>>) target_semaphore(%arg11 : memref<!tpu.dma_semaphore, #tpu.memory_space<semaphore_mem>>)
    %dma_wait3A_121 = arith.constant 0 : i32
    %dma_wait3A_122 = arith.constant 0 : i32
    %dma_wait3A_123 = arith.constant 0 : i32
    %dma_wait3A_124 = tpu.memref_slice %arg7[%dma_wait3A_121, %dma_wait3A_122, %dma_wait3A_123] : memref<4x200x32xf32, #tpu.memory_space<vmem>> -> memref<1x128x32xf32, #tpu.memory_space<vmem>>
    %dma_wait3A_125 = tpu.memref_squeeze %dma_wait3A_124 : memref<1x128x32xf32, #tpu.memory_space<vmem>> -> memref<128x32xf32, #tpu.memory_space<vmem>>
    %dma_wait3A_126 = tpu.memref_slice %arg6[%add3A_20] : memref<25600xi32, #tpu.memory_space<vmem>> -> memref<128xi32, #tpu.memory_space<vmem>>
    %dma_wait3A_127 = arith.constant 0 : i32
    %dma_wait3A_128 = arith.constant 0 : i32
    %dma_wait3A_129 = tpu.memref_slice %arg3[%dma_wait3A_127, %dma_wait3A_128] : memref<1003520x32xf32, #tpu.memory_space<hbm>> -> memref<1003520x32xf32, #tpu.memory_space<hbm>>
    tpu.wait_indirect_dma semaphore(%arg12 : memref<!tpu.dma_semaphore, #tpu.memory_space<semaphore_mem>>) src(%dma_wait3A_129 : memref<1003520x32xf32, #tpu.memory_space<hbm>>) dst(%dma_wait3A_125 : memref<128x32xf32, #tpu.memory_space<vmem>>)
    %dma_wait3A_130 = arith.constant 0 : i32
    %dma_wait3A_131 = arith.constant 128 : i32
    %dma_wait3A_132 = arith.constant 0 : i32
    %dma_wait3A_133 = tpu.memref_slice %arg7[%dma_wait3A_130, %dma_wait3A_131, %dma_wait3A_132] : memref<4x200x32xf32, #tpu.memory_space<vmem>> -> memref<1x72x32xf32, #tpu.memory_space<vmem>>
    %dma_wait3A_134 = tpu.memref_squeeze %dma_wait3A_133 : memref<1x72x32xf32, #tpu.memory_space<vmem>> -> memref<72x32xf32, #tpu.memory_space<vmem>>
    %dma_wait3A_135 = tpu.memref_slice %arg6[%add3A_33] : memref<25600xi32, #tpu.memory_space<vmem>> -> memref<72xi32, #tpu.memory_space<vmem>>
    %dma_wait3A_136 = arith.constant 0 : i32
    %dma_wait3A_137 = arith.constant 0 : i32
    %dma_wait3A_138 = tpu.memref_slice %arg3[%dma_wait3A_136, %dma_wait3A_137] : memref<1003520x32xf32, #tpu.memory_space<hbm>> -> memref<1003520x32xf32, #tpu.memory_space<hbm>>
    tpu.wait_indirect_dma semaphore(%arg12 : memref<!tpu.dma_semaphore, #tpu.memory_space<semaphore_mem>>) src(%dma_wait3A_138 : memref<1003520x32xf32, #tpu.memory_space<hbm>>) dst(%dma_wait3A_134 : memref<72x32xf32, #tpu.memory_space<vmem>>)
    %dma_wait3A_139 = arith.constant 1 : i32
    %dma_wait3A_140 = arith.constant 0 : i32
    %dma_wait3A_141 = arith.constant 0 : i32
    %dma_wait3A_142 = tpu.memref_slice %arg7[%dma_wait3A_139, %dma_wait3A_140, %dma_wait3A_141] : memref<4x200x32xf32, #tpu.memory_space<vmem>> -> memref<1x128x32xf32, #tpu.memory_space<vmem>>
    %dma_wait3A_143 = tpu.memref_squeeze %dma_wait3A_142 : memref<1x128x32xf32, #tpu.memory_space<vmem>> -> memref<128x32xf32, #tpu.memory_space<vmem>>
    %dma_wait3A_144 = tpu.memref_slice %arg6[%add3A_46] : memref<25600xi32, #tpu.memory_space<vmem>> -> memref<128xi32, #tpu.memory_space<vmem>>
    %dma_wait3A_145 = arith.constant 0 : i32
    %dma_wait3A_146 = arith.constant 0 : i32
    %dma_wait3A_147 = tpu.memref_slice %arg3[%dma_wait3A_145, %dma_wait3A_146] : memref<1003520x32xf32, #tpu.memory_space<hbm>> -> memref<1003520x32xf32, #tpu.memory_space<hbm>>
    tpu.wait_indirect_dma semaphore(%arg12 : memref<!tpu.dma_semaphore, #tpu.memory_space<semaphore_mem>>) src(%dma_wait3A_147 : memref<1003520x32xf32, #tpu.memory_space<hbm>>) dst(%dma_wait3A_143 : memref<128x32xf32, #tpu.memory_space<vmem>>)
    %dma_wait3A_148 = arith.constant 1 : i32
    %dma_wait3A_149 = arith.constant 128 : i32
    %dma_wait3A_150 = arith.constant 0 : i32
    %dma_wait3A_151 = tpu.memref_slice %arg7[%dma_wait3A_148, %dma_wait3A_149, %dma_wait3A_150] : memref<4x200x32xf32, #tpu.memory_space<vmem>> -> memref<1x72x32xf32, #tpu.memory_space<vmem>>
    %dma_wait3A_152 = tpu.memref_squeeze %dma_wait3A_151 : memref<1x72x32xf32, #tpu.memory_space<vmem>> -> memref<72x32xf32, #tpu.memory_space<vmem>>
    %dma_wait3A_153 = tpu.memref_slice %arg6[%add3A_59] : memref<25600xi32, #tpu.memory_space<vmem>> -> memref<72xi32, #tpu.memory_space<vmem>>
    %dma_wait3A_154 = arith.constant 0 : i32
    %dma_wait3A_155 = arith.constant 0 : i32
    %dma_wait3A_156 = tpu.memref_slice %arg3[%dma_wait3A_154, %dma_wait3A_155] : memref<1003520x32xf32, #tpu.memory_space<hbm>> -> memref<1003520x32xf32, #tpu.memory_space<hbm>>
    tpu.wait_indirect_dma semaphore(%arg12 : memref<!tpu.dma_semaphore, #tpu.memory_space<semaphore_mem>>) src(%dma_wait3A_156 : memref<1003520x32xf32, #tpu.memory_space<hbm>>) dst(%dma_wait3A_152 : memref<72x32xf32, #tpu.memory_space<vmem>>)
    %dma_wait3A_157 = arith.constant 2 : i32
    %dma_wait3A_158 = arith.constant 0 : i32
    %dma_wait3A_159 = arith.constant 0 : i32
    %dma_wait3A_160 = tpu.memref_slice %arg7[%dma_wait3A_157, %dma_wait3A_158, %dma_wait3A_159] : memref<4x200x32xf32, #tpu.memory_space<vmem>> -> memref<1x128x32xf32, #tpu.memory_space<vmem>>
    %dma_wait3A_161 = tpu.memref_squeeze %dma_wait3A_160 : memref<1x128x32xf32, #tpu.memory_space<vmem>> -> memref<128x32xf32, #tpu.memory_space<vmem>>
    %dma_wait3A_162 = tpu.memref_slice %arg6[%add3A_72] : memref<25600xi32, #tpu.memory_space<vmem>> -> memref<128xi32, #tpu.memory_space<vmem>>
    %dma_wait3A_163 = arith.constant 0 : i32
    %dma_wait3A_164 = arith.constant 0 : i32
    %dma_wait3A_165 = tpu.memref_slice %arg3[%dma_wait3A_163, %dma_wait3A_164] : memref<1003520x32xf32, #tpu.memory_space<hbm>> -> memref<1003520x32xf32, #tpu.memory_space<hbm>>
    tpu.wait_indirect_dma semaphore(%arg12 : memref<!tpu.dma_semaphore, #tpu.memory_space<semaphore_mem>>) src(%dma_wait3A_165 : memref<1003520x32xf32, #tpu.memory_space<hbm>>) dst(%dma_wait3A_161 : memref<128x32xf32, #tpu.memory_space<vmem>>)
    %dma_wait3A_166 = arith.constant 2 : i32
    %dma_wait3A_167 = arith.constant 128 : i32
    %dma_wait3A_168 = arith.constant 0 : i32
    %dma_wait3A_169 = tpu.memref_slice %arg7[%dma_wait3A_166, %dma_wait3A_167, %dma_wait3A_168] : memref<4x200x32xf32, #tpu.memory_space<vmem>> -> memref<1x72x32xf32, #tpu.memory_space<vmem>>
    %dma_wait3A_170 = tpu.memref_squeeze %dma_wait3A_169 : memref<1x72x32xf32, #tpu.memory_space<vmem>> -> memref<72x32xf32, #tpu.memory_space<vmem>>
    %dma_wait3A_171 = tpu.memref_slice %arg6[%add3A_85] : memref<25600xi32, #tpu.memory_space<vmem>> -> memref<72xi32, #tpu.memory_space<vmem>>
    %dma_wait3A_172 = arith.constant 0 : i32
    %dma_wait3A_173 = arith.constant 0 : i32
    %dma_wait3A_174 = tpu.memref_slice %arg3[%dma_wait3A_172, %dma_wait3A_173] : memref<1003520x32xf32, #tpu.memory_space<hbm>> -> memref<1003520x32xf32, #tpu.memory_space<hbm>>
    tpu.wait_indirect_dma semaphore(%arg12 : memref<!tpu.dma_semaphore, #tpu.memory_space<semaphore_mem>>) src(%dma_wait3A_174 : memref<1003520x32xf32, #tpu.memory_space<hbm>>) dst(%dma_wait3A_170 : memref<72x32xf32, #tpu.memory_space<vmem>>)
    %dma_wait3A_175 = arith.constant 3 : i32
    %dma_wait3A_176 = arith.constant 0 : i32
    %dma_wait3A_177 = arith.constant 0 : i32
    %dma_wait3A_178 = tpu.memref_slice %arg7[%dma_wait3A_175, %dma_wait3A_176, %dma_wait3A_177] : memref<4x200x32xf32, #tpu.memory_space<vmem>> -> memref<1x128x32xf32, #tpu.memory_space<vmem>>
    %dma_wait3A_179 = tpu.memref_squeeze %dma_wait3A_178 : memref<1x128x32xf32, #tpu.memory_space<vmem>> -> memref<128x32xf32, #tpu.memory_space<vmem>>
    %dma_wait3A_180 = tpu.memref_slice %arg6[%add3A_98] : memref<25600xi32, #tpu.memory_space<vmem>> -> memref<128xi32, #tpu.memory_space<vmem>>
    %dma_wait3A_181 = arith.constant 0 : i32
    %dma_wait3A_182 = arith.constant 0 : i32
    %dma_wait3A_183 = tpu.memref_slice %arg3[%dma_wait3A_181, %dma_wait3A_182] : memref<1003520x32xf32, #tpu.memory_space<hbm>> -> memref<1003520x32xf32, #tpu.memory_space<hbm>>
    tpu.wait_indirect_dma semaphore(%arg12 : memref<!tpu.dma_semaphore, #tpu.memory_space<semaphore_mem>>) src(%dma_wait3A_183 : memref<1003520x32xf32, #tpu.memory_space<hbm>>) dst(%dma_wait3A_179 : memref<128x32xf32, #tpu.memory_space<vmem>>)
    %dma_wait3A_184 = arith.constant 3 : i32
    %dma_wait3A_185 = arith.constant 128 : i32
    %dma_wait3A_186 = arith.constant 0 : i32
    %dma_wait3A_187 = tpu.memref_slice %arg7[%dma_wait3A_184, %dma_wait3A_185, %dma_wait3A_186] : memref<4x200x32xf32, #tpu.memory_space<vmem>> -> memref<1x72x32xf32, #tpu.memory_space<vmem>>
    %dma_wait3A_188 = tpu.memref_squeeze %dma_wait3A_187 : memref<1x72x32xf32, #tpu.memory_space<vmem>> -> memref<72x32xf32, #tpu.memory_space<vmem>>
    %dma_wait3A_189 = tpu.memref_slice %arg6[%add3A_111] : memref<25600xi32, #tpu.memory_space<vmem>> -> memref<72xi32, #tpu.memory_space<vmem>>
    %dma_wait3A_190 = arith.constant 0 : i32
    %dma_wait3A_191 = arith.constant 0 : i32
    %dma_wait3A_192 = tpu.memref_slice %arg3[%dma_wait3A_190, %dma_wait3A_191] : memref<1003520x32xf32, #tpu.memory_space<hbm>> -> memref<1003520x32xf32, #tpu.memory_space<hbm>>
    tpu.wait_indirect_dma semaphore(%arg12 : memref<!tpu.dma_semaphore, #tpu.memory_space<semaphore_mem>>) src(%dma_wait3A_192 : memref<1003520x32xf32, #tpu.memory_space<hbm>>) dst(%dma_wait3A_188 : memref<72x32xf32, #tpu.memory_space<vmem>>)
    %add3A_193 = arith.addi %multiple_of3A, %multiple_of3A_8 : i32
    %jit3A = arith.constant 200 : i32
    %div3A = arith.divsi %add3A_193, %jit3A : i32
    %sign3A = arith.constant 0 : i32
    %sign3A_194 = arith.cmpi sgt, %add3A_193, %sign3A : i32
    %sign3A_195 = arith.extui %sign3A_194 : i1 to i32
    %sign3A_196 = arith.constant 0 : i32
    %sign3A_197 = arith.cmpi slt, %add3A_193, %sign3A_196 : i32
    %sign3A_198 = arith.extui %sign3A_197 : i1 to i32
    %sign3A_199 = arith.subi %sign3A_195, %sign3A_198 : i32
    %sign3A_200 = arith.constant 0 : i32
    %sign3A_201 = arith.cmpi sgt, %jit3A, %sign3A_200 : i32
    %sign3A_202 = arith.extui %sign3A_201 : i1 to i32
    %sign3A_203 = arith.constant 0 : i32
    %sign3A_204 = arith.cmpi slt, %jit3A, %sign3A_203 : i32
    %sign3A_205 = arith.extui %sign3A_204 : i1 to i32
    %sign3A_206 = arith.subi %sign3A_202, %sign3A_205 : i32
    %ne3A = arith.cmpi ne, %sign3A_199, %sign3A_206 : i32
    %rem3A = arith.remsi %add3A_193, %jit3A : i32
    %ne3A_207 = arith.constant 0 : i32
    %ne3A_208 = arith.cmpi ne, %rem3A, %ne3A_207 : i32
    %and3A = arith.andi %ne3A, %ne3A_208 : i1
    %sub3A = arith.constant 1 : i32
    %sub3A_209 = arith.subi %div3A, %sub3A : i32
    %select_n3A = arith.select %and3A, %sub3A_209, %div3A : i32
    %dma_start3A_210 = arith.constant 0 : i32
    %dma_start3A_211 = arith.constant 0 : i32
    %dma_start3A_212 = tpu.memref_slice %arg5[%select_n3A, %dma_start3A_210, %dma_start3A_211] : memref<4096x200x32xf32, #tpu.memory_space<hbm>> -> memref<4x200x32xf32, #tpu.memory_space<hbm>>
    %dma_start3A_213 = arith.constant 0 : i32
    %dma_start3A_214 = arith.constant 0 : i32
    %dma_start3A_215 = tpu.memref_slice %arg5[%select_n3A, %dma_start3A_213, %dma_start3A_214] : memref<4096x200x32xf32, #tpu.memory_space<hbm>> -> memref<4x200x32xf32, #tpu.memory_space<hbm>>
    tpu.enqueue_dma source(%arg7 : memref<4x200x32xf32, #tpu.memory_space<vmem>>) target(%dma_start3A_215 : memref<4x200x32xf32, #tpu.memory_space<hbm>>) target_semaphore(%arg13 : memref<!tpu.dma_semaphore, #tpu.memory_space<semaphore_mem>>)
    %scan3A = arith.constant 0 : i32
    %scan3A_216 = arith.constant 0 : i32
    %scan3A_217 = arith.constant 15 : i32
    %scan3A_218 = arith.addi %scan3A_216, %scan3A_217 : i32
    %scan3A_219 = arith.constant 1 : i32
    %scan3A_220 = scf.for %scan3A_455 = %scan3A_216 to %scan3A_218 step %scan3A_219 iter_args(%scan3A_456 = %scan3A) -> (i32)  : i32 {
      %mul3A_457 = arith.constant 2 : i32
      %mul3A_458 = arith.muli %mul3A_457, %scan3A_455 : i32
      %add3A_459 = arith.constant 1 : i32
      %add3A_460 = arith.addi %mul3A_458, %add3A_459 : i32
      %mul3A_461 = arith.constant 800 : i32
      %mul3A_462 = arith.muli %add3A_460, %mul3A_461 : i32
      %multiple_of3A_463 = tpu.assume_multiple %mul3A_462, 8 : i32
      %dma_wait3A_464 = arith.constant 0 : i32
      %dma_wait3A_465 = arith.constant 0 : i32
      %dma_wait3A_466 = arith.constant 0 : i32
      %dma_wait3A_467 = tpu.memref_slice %arg5[%dma_wait3A_464, %dma_wait3A_465, %dma_wait3A_466] : memref<4096x200x32xf32, #tpu.memory_space<hbm>> -> memref<4x200x32xf32, #tpu.memory_space<hbm>>
      %dma_wait3A_468 = arith.constant 0 : i32
      %dma_wait3A_469 = arith.constant 0 : i32
      %dma_wait3A_470 = arith.constant 0 : i32
      %dma_wait3A_471 = tpu.memref_slice %arg5[%dma_wait3A_468, %dma_wait3A_469, %dma_wait3A_470] : memref<4096x200x32xf32, #tpu.memory_space<hbm>> -> memref<4x200x32xf32, #tpu.memory_space<hbm>>
      tpu.wait_dma2 semaphore(%arg11 : memref<!tpu.dma_semaphore, #tpu.memory_space<semaphore_mem>>) src(%dma_wait3A_471 : memref<4x200x32xf32, #tpu.memory_space<hbm>>) dst(%arg8 : memref<4x200x32xf32, #tpu.memory_space<vmem>>)
      %add3A_472 = arith.constant 0 : i32
      %add3A_473 = arith.addi %multiple_of3A_463, %add3A_472 : i32
      %add3A_474 = arith.constant 0 : i32
      %add3A_475 = arith.addi %add3A_473, %add3A_474 : i32
      %dma_start3A_476 = arith.constant 0 : i32
      %dma_start3A_477 = arith.constant 0 : i32
      %dma_start3A_478 = arith.constant 0 : i32
      %dma_start3A_479 = tpu.memref_slice %arg8[%dma_start3A_476, %dma_start3A_477, %dma_start3A_478] : memref<4x200x32xf32, #tpu.memory_space<vmem>> -> memref<1x128x32xf32, #tpu.memory_space<vmem>>
      %dma_start3A_480 = tpu.memref_squeeze %dma_start3A_479 : memref<1x128x32xf32, #tpu.memory_space<vmem>> -> memref<128x32xf32, #tpu.memory_space<vmem>>
      %dma_start3A_481 = tpu.memref_slice %arg6[%add3A_475] : memref<25600xi32, #tpu.memory_space<vmem>> -> memref<128xi32, #tpu.memory_space<vmem>>
      %dma_start3A_482 = arith.constant 0 : i32
      %dma_start3A_483 = arith.constant 0 : i32
      %dma_start3A_484 = tpu.memref_slice %arg3[%dma_start3A_482, %dma_start3A_483] : memref<1003520x32xf32, #tpu.memory_space<hbm>> -> memref<1003520x32xf32, #tpu.memory_space<hbm>>
      tpu.enqueue_indirect_dma source(%dma_start3A_484 : memref<1003520x32xf32, #tpu.memory_space<hbm>>) target(%dma_start3A_480 : memref<128x32xf32, #tpu.memory_space<vmem>>) offsets(%dma_start3A_481 : memref<128xi32, #tpu.memory_space<vmem>>) semaphore(%arg12 : memref<!tpu.dma_semaphore, #tpu.memory_space<semaphore_mem>>) {add = true}
      %add3A_485 = arith.constant 0 : i32
      %add3A_486 = arith.addi %multiple_of3A_463, %add3A_485 : i32
      %add3A_487 = arith.constant 128 : i32
      %add3A_488 = arith.addi %add3A_486, %add3A_487 : i32
      %dma_start3A_489 = arith.constant 0 : i32
      %dma_start3A_490 = arith.constant 128 : i32
      %dma_start3A_491 = arith.constant 0 : i32
      %dma_start3A_492 = tpu.memref_slice %arg8[%dma_start3A_489, %dma_start3A_490, %dma_start3A_491] : memref<4x200x32xf32, #tpu.memory_space<vmem>> -> memref<1x72x32xf32, #tpu.memory_space<vmem>>
      %dma_start3A_493 = tpu.memref_squeeze %dma_start3A_492 : memref<1x72x32xf32, #tpu.memory_space<vmem>> -> memref<72x32xf32, #tpu.memory_space<vmem>>
      %dma_start3A_494 = tpu.memref_slice %arg6[%add3A_488] : memref<25600xi32, #tpu.memory_space<vmem>> -> memref<72xi32, #tpu.memory_space<vmem>>
      %dma_start3A_495 = arith.constant 0 : i32
      %dma_start3A_496 = arith.constant 0 : i32
      %dma_start3A_497 = tpu.memref_slice %arg3[%dma_start3A_495, %dma_start3A_496] : memref<1003520x32xf32, #tpu.memory_space<hbm>> -> memref<1003520x32xf32, #tpu.memory_space<hbm>>
      tpu.enqueue_indirect_dma source(%dma_start3A_497 : memref<1003520x32xf32, #tpu.memory_space<hbm>>) target(%dma_start3A_493 : memref<72x32xf32, #tpu.memory_space<vmem>>) offsets(%dma_start3A_494 : memref<72xi32, #tpu.memory_space<vmem>>) semaphore(%arg12 : memref<!tpu.dma_semaphore, #tpu.memory_space<semaphore_mem>>) {add = true}
      %add3A_498 = arith.constant 200 : i32
      %add3A_499 = arith.addi %multiple_of3A_463, %add3A_498 : i32
      %add3A_500 = arith.constant 0 : i32
      %add3A_501 = arith.addi %add3A_499, %add3A_500 : i32
      %dma_start3A_502 = arith.constant 1 : i32
      %dma_start3A_503 = arith.constant 0 : i32
      %dma_start3A_504 = arith.constant 0 : i32
      %dma_start3A_505 = tpu.memref_slice %arg8[%dma_start3A_502, %dma_start3A_503, %dma_start3A_504] : memref<4x200x32xf32, #tpu.memory_space<vmem>> -> memref<1x128x32xf32, #tpu.memory_space<vmem>>
      %dma_start3A_506 = tpu.memref_squeeze %dma_start3A_505 : memref<1x128x32xf32, #tpu.memory_space<vmem>> -> memref<128x32xf32, #tpu.memory_space<vmem>>
      %dma_start3A_507 = tpu.memref_slice %arg6[%add3A_501] : memref<25600xi32, #tpu.memory_space<vmem>> -> memref<128xi32, #tpu.memory_space<vmem>>
      %dma_start3A_508 = arith.constant 0 : i32
      %dma_start3A_509 = arith.constant 0 : i32
      %dma_start3A_510 = tpu.memref_slice %arg3[%dma_start3A_508, %dma_start3A_509] : memref<1003520x32xf32, #tpu.memory_space<hbm>> -> memref<1003520x32xf32, #tpu.memory_space<hbm>>
      tpu.enqueue_indirect_dma source(%dma_start3A_510 : memref<1003520x32xf32, #tpu.memory_space<hbm>>) target(%dma_start3A_506 : memref<128x32xf32, #tpu.memory_space<vmem>>) offsets(%dma_start3A_507 : memref<128xi32, #tpu.memory_space<vmem>>) semaphore(%arg12 : memref<!tpu.dma_semaphore, #tpu.memory_space<semaphore_mem>>) {add = true}
      %add3A_511 = arith.constant 200 : i32
      %add3A_512 = arith.addi %multiple_of3A_463, %add3A_511 : i32
      %add3A_513 = arith.constant 128 : i32
      %add3A_514 = arith.addi %add3A_512, %add3A_513 : i32
      %dma_start3A_515 = arith.constant 1 : i32
      %dma_start3A_516 = arith.constant 128 : i32
      %dma_start3A_517 = arith.constant 0 : i32
      %dma_start3A_518 = tpu.memref_slice %arg8[%dma_start3A_515, %dma_start3A_516, %dma_start3A_517] : memref<4x200x32xf32, #tpu.memory_space<vmem>> -> memref<1x72x32xf32, #tpu.memory_space<vmem>>
      %dma_start3A_519 = tpu.memref_squeeze %dma_start3A_518 : memref<1x72x32xf32, #tpu.memory_space<vmem>> -> memref<72x32xf32, #tpu.memory_space<vmem>>
      %dma_start3A_520 = tpu.memref_slice %arg6[%add3A_514] : memref<25600xi32, #tpu.memory_space<vmem>> -> memref<72xi32, #tpu.memory_space<vmem>>
      %dma_start3A_521 = arith.constant 0 : i32
      %dma_start3A_522 = arith.constant 0 : i32
      %dma_start3A_523 = tpu.memref_slice %arg3[%dma_start3A_521, %dma_start3A_522] : memref<1003520x32xf32, #tpu.memory_space<hbm>> -> memref<1003520x32xf32, #tpu.memory_space<hbm>>
      tpu.enqueue_indirect_dma source(%dma_start3A_523 : memref<1003520x32xf32, #tpu.memory_space<hbm>>) target(%dma_start3A_519 : memref<72x32xf32, #tpu.memory_space<vmem>>) offsets(%dma_start3A_520 : memref<72xi32, #tpu.memory_space<vmem>>) semaphore(%arg12 : memref<!tpu.dma_semaphore, #tpu.memory_space<semaphore_mem>>) {add = true}
      %add3A_524 = arith.constant 400 : i32
      %add3A_525 = arith.addi %multiple_of3A_463, %add3A_524 : i32
      %add3A_526 = arith.constant 0 : i32
      %add3A_527 = arith.addi %add3A_525, %add3A_526 : i32
      %dma_start3A_528 = arith.constant 2 : i32
      %dma_start3A_529 = arith.constant 0 : i32
      %dma_start3A_530 = arith.constant 0 : i32
      %dma_start3A_531 = tpu.memref_slice %arg8[%dma_start3A_528, %dma_start3A_529, %dma_start3A_530] : memref<4x200x32xf32, #tpu.memory_space<vmem>> -> memref<1x128x32xf32, #tpu.memory_space<vmem>>
      %dma_start3A_532 = tpu.memref_squeeze %dma_start3A_531 : memref<1x128x32xf32, #tpu.memory_space<vmem>> -> memref<128x32xf32, #tpu.memory_space<vmem>>
      %dma_start3A_533 = tpu.memref_slice %arg6[%add3A_527] : memref<25600xi32, #tpu.memory_space<vmem>> -> memref<128xi32, #tpu.memory_space<vmem>>
      %dma_start3A_534 = arith.constant 0 : i32
      %dma_start3A_535 = arith.constant 0 : i32
      %dma_start3A_536 = tpu.memref_slice %arg3[%dma_start3A_534, %dma_start3A_535] : memref<1003520x32xf32, #tpu.memory_space<hbm>> -> memref<1003520x32xf32, #tpu.memory_space<hbm>>
      tpu.enqueue_indirect_dma source(%dma_start3A_536 : memref<1003520x32xf32, #tpu.memory_space<hbm>>) target(%dma_start3A_532 : memref<128x32xf32, #tpu.memory_space<vmem>>) offsets(%dma_start3A_533 : memref<128xi32, #tpu.memory_space<vmem>>) semaphore(%arg12 : memref<!tpu.dma_semaphore, #tpu.memory_space<semaphore_mem>>) {add = true}
      %add3A_537 = arith.constant 400 : i32
      %add3A_538 = arith.addi %multiple_of3A_463, %add3A_537 : i32
      %add3A_539 = arith.constant 128 : i32
      %add3A_540 = arith.addi %add3A_538, %add3A_539 : i32
      %dma_start3A_541 = arith.constant 2 : i32
      %dma_start3A_542 = arith.constant 128 : i32
      %dma_start3A_543 = arith.constant 0 : i32
      %dma_start3A_544 = tpu.memref_slice %arg8[%dma_start3A_541, %dma_start3A_542, %dma_start3A_543] : memref<4x200x32xf32, #tpu.memory_space<vmem>> -> memref<1x72x32xf32, #tpu.memory_space<vmem>>
      %dma_start3A_545 = tpu.memref_squeeze %dma_start3A_544 : memref<1x72x32xf32, #tpu.memory_space<vmem>> -> memref<72x32xf32, #tpu.memory_space<vmem>>
      %dma_start3A_546 = tpu.memref_slice %arg6[%add3A_540] : memref<25600xi32, #tpu.memory_space<vmem>> -> memref<72xi32, #tpu.memory_space<vmem>>
      %dma_start3A_547 = arith.constant 0 : i32
      %dma_start3A_548 = arith.constant 0 : i32
      %dma_start3A_549 = tpu.memref_slice %arg3[%dma_start3A_547, %dma_start3A_548] : memref<1003520x32xf32, #tpu.memory_space<hbm>> -> memref<1003520x32xf32, #tpu.memory_space<hbm>>
      tpu.enqueue_indirect_dma source(%dma_start3A_549 : memref<1003520x32xf32, #tpu.memory_space<hbm>>) target(%dma_start3A_545 : memref<72x32xf32, #tpu.memory_space<vmem>>) offsets(%dma_start3A_546 : memref<72xi32, #tpu.memory_space<vmem>>) semaphore(%arg12 : memref<!tpu.dma_semaphore, #tpu.memory_space<semaphore_mem>>) {add = true}
      %add3A_550 = arith.constant 600 : i32
      %add3A_551 = arith.addi %multiple_of3A_463, %add3A_550 : i32
      %add3A_552 = arith.constant 0 : i32
      %add3A_553 = arith.addi %add3A_551, %add3A_552 : i32
      %dma_start3A_554 = arith.constant 3 : i32
      %dma_start3A_555 = arith.constant 0 : i32
      %dma_start3A_556 = arith.constant 0 : i32
      %dma_start3A_557 = tpu.memref_slice %arg8[%dma_start3A_554, %dma_start3A_555, %dma_start3A_556] : memref<4x200x32xf32, #tpu.memory_space<vmem>> -> memref<1x128x32xf32, #tpu.memory_space<vmem>>
      %dma_start3A_558 = tpu.memref_squeeze %dma_start3A_557 : memref<1x128x32xf32, #tpu.memory_space<vmem>> -> memref<128x32xf32, #tpu.memory_space<vmem>>
      %dma_start3A_559 = tpu.memref_slice %arg6[%add3A_553] : memref<25600xi32, #tpu.memory_space<vmem>> -> memref<128xi32, #tpu.memory_space<vmem>>
      %dma_start3A_560 = arith.constant 0 : i32
      %dma_start3A_561 = arith.constant 0 : i32
      %dma_start3A_562 = tpu.memref_slice %arg3[%dma_start3A_560, %dma_start3A_561] : memref<1003520x32xf32, #tpu.memory_space<hbm>> -> memref<1003520x32xf32, #tpu.memory_space<hbm>>
      tpu.enqueue_indirect_dma source(%dma_start3A_562 : memref<1003520x32xf32, #tpu.memory_space<hbm>>) target(%dma_start3A_558 : memref<128x32xf32, #tpu.memory_space<vmem>>) offsets(%dma_start3A_559 : memref<128xi32, #tpu.memory_space<vmem>>) semaphore(%arg12 : memref<!tpu.dma_semaphore, #tpu.memory_space<semaphore_mem>>) {add = true}
      %add3A_563 = arith.constant 600 : i32
      %add3A_564 = arith.addi %multiple_of3A_463, %add3A_563 : i32
      %add3A_565 = arith.constant 128 : i32
      %add3A_566 = arith.addi %add3A_564, %add3A_565 : i32
      %dma_start3A_567 = arith.constant 3 : i32
      %dma_start3A_568 = arith.constant 128 : i32
      %dma_start3A_569 = arith.constant 0 : i32
      %dma_start3A_570 = tpu.memref_slice %arg8[%dma_start3A_567, %dma_start3A_568, %dma_start3A_569] : memref<4x200x32xf32, #tpu.memory_space<vmem>> -> memref<1x72x32xf32, #tpu.memory_space<vmem>>
      %dma_start3A_571 = tpu.memref_squeeze %dma_start3A_570 : memref<1x72x32xf32, #tpu.memory_space<vmem>> -> memref<72x32xf32, #tpu.memory_space<vmem>>
      %dma_start3A_572 = tpu.memref_slice %arg6[%add3A_566] : memref<25600xi32, #tpu.memory_space<vmem>> -> memref<72xi32, #tpu.memory_space<vmem>>
      %dma_start3A_573 = arith.constant 0 : i32
      %dma_start3A_574 = arith.constant 0 : i32
      %dma_start3A_575 = tpu.memref_slice %arg3[%dma_start3A_573, %dma_start3A_574] : memref<1003520x32xf32, #tpu.memory_space<hbm>> -> memref<1003520x32xf32, #tpu.memory_space<hbm>>
      tpu.enqueue_indirect_dma source(%dma_start3A_575 : memref<1003520x32xf32, #tpu.memory_space<hbm>>) target(%dma_start3A_571 : memref<72x32xf32, #tpu.memory_space<vmem>>) offsets(%dma_start3A_572 : memref<72xi32, #tpu.memory_space<vmem>>) semaphore(%arg12 : memref<!tpu.dma_semaphore, #tpu.memory_space<semaphore_mem>>) {add = true}
      %dma_wait3A_576 = arith.constant 0 : i32
      %dma_wait3A_577 = arith.constant 0 : i32
      %dma_wait3A_578 = arith.constant 0 : i32
      %dma_wait3A_579 = tpu.memref_slice %arg5[%dma_wait3A_576, %dma_wait3A_577, %dma_wait3A_578] : memref<4096x200x32xf32, #tpu.memory_space<hbm>> -> memref<4x200x32xf32, #tpu.memory_space<hbm>>
      %dma_wait3A_580 = arith.constant 0 : i32
      %dma_wait3A_581 = arith.constant 0 : i32
      %dma_wait3A_582 = arith.constant 0 : i32
      %dma_wait3A_583 = tpu.memref_slice %arg5[%dma_wait3A_580, %dma_wait3A_581, %dma_wait3A_582] : memref<4096x200x32xf32, #tpu.memory_space<hbm>> -> memref<4x200x32xf32, #tpu.memory_space<hbm>>
      tpu.wait_dma2 semaphore(%arg13 : memref<!tpu.dma_semaphore, #tpu.memory_space<semaphore_mem>>) src(%dma_wait3A_583 : memref<4x200x32xf32, #tpu.memory_space<hbm>>) dst(%arg7 : memref<4x200x32xf32, #tpu.memory_space<vmem>>)
      tpu.enqueue_dma source(%arg9 : memref<4x200x32xf32, #tpu.memory_space<vmem_shared>>) target(%arg7 : memref<4x200x32xf32, #tpu.memory_space<vmem>>) target_semaphore(%arg11 : memref<!tpu.dma_semaphore, #tpu.memory_space<semaphore_mem>>)
      %dma_wait3A_584 = arith.constant 0 : i32
      %dma_wait3A_585 = arith.constant 0 : i32
      %dma_wait3A_586 = arith.constant 0 : i32
      %dma_wait3A_587 = tpu.memref_slice %arg8[%dma_wait3A_584, %dma_wait3A_585, %dma_wait3A_586] : memref<4x200x32xf32, #tpu.memory_space<vmem>> -> memref<1x128x32xf32, #tpu.memory_space<vmem>>
      %dma_wait3A_588 = tpu.memref_squeeze %dma_wait3A_587 : memref<1x128x32xf32, #tpu.memory_space<vmem>> -> memref<128x32xf32, #tpu.memory_space<vmem>>
      %dma_wait3A_589 = tpu.memref_slice %arg6[%add3A_475] : memref<25600xi32, #tpu.memory_space<vmem>> -> memref<128xi32, #tpu.memory_space<vmem>>
      %dma_wait3A_590 = arith.constant 0 : i32
      %dma_wait3A_591 = arith.constant 0 : i32
      %dma_wait3A_592 = tpu.memref_slice %arg3[%dma_wait3A_590, %dma_wait3A_591] : memref<1003520x32xf32, #tpu.memory_space<hbm>> -> memref<1003520x32xf32, #tpu.memory_space<hbm>>
      tpu.wait_indirect_dma semaphore(%arg12 : memref<!tpu.dma_semaphore, #tpu.memory_space<semaphore_mem>>) src(%dma_wait3A_592 : memref<1003520x32xf32, #tpu.memory_space<hbm>>) dst(%dma_wait3A_588 : memref<128x32xf32, #tpu.memory_space<vmem>>)
      %dma_wait3A_593 = arith.constant 0 : i32
      %dma_wait3A_594 = arith.constant 128 : i32
      %dma_wait3A_595 = arith.constant 0 : i32
      %dma_wait3A_596 = tpu.memref_slice %arg8[%dma_wait3A_593, %dma_wait3A_594, %dma_wait3A_595] : memref<4x200x32xf32, #tpu.memory_space<vmem>> -> memref<1x72x32xf32, #tpu.memory_space<vmem>>
      %dma_wait3A_597 = tpu.memref_squeeze %dma_wait3A_596 : memref<1x72x32xf32, #tpu.memory_space<vmem>> -> memref<72x32xf32, #tpu.memory_space<vmem>>
      %dma_wait3A_598 = tpu.memref_slice %arg6[%add3A_488] : memref<25600xi32, #tpu.memory_space<vmem>> -> memref<72xi32, #tpu.memory_space<vmem>>
      %dma_wait3A_599 = arith.constant 0 : i32
      %dma_wait3A_600 = arith.constant 0 : i32
      %dma_wait3A_601 = tpu.memref_slice %arg3[%dma_wait3A_599, %dma_wait3A_600] : memref<1003520x32xf32, #tpu.memory_space<hbm>> -> memref<1003520x32xf32, #tpu.memory_space<hbm>>
      tpu.wait_indirect_dma semaphore(%arg12 : memref<!tpu.dma_semaphore, #tpu.memory_space<semaphore_mem>>) src(%dma_wait3A_601 : memref<1003520x32xf32, #tpu.memory_space<hbm>>) dst(%dma_wait3A_597 : memref<72x32xf32, #tpu.memory_space<vmem>>)
      %dma_wait3A_602 = arith.constant 1 : i32
      %dma_wait3A_603 = arith.constant 0 : i32
      %dma_wait3A_604 = arith.constant 0 : i32
      %dma_wait3A_605 = tpu.memref_slice %arg8[%dma_wait3A_602, %dma_wait3A_603, %dma_wait3A_604] : memref<4x200x32xf32, #tpu.memory_space<vmem>> -> memref<1x128x32xf32, #tpu.memory_space<vmem>>
      %dma_wait3A_606 = tpu.memref_squeeze %dma_wait3A_605 : memref<1x128x32xf32, #tpu.memory_space<vmem>> -> memref<128x32xf32, #tpu.memory_space<vmem>>
      %dma_wait3A_607 = tpu.memref_slice %arg6[%add3A_501] : memref<25600xi32, #tpu.memory_space<vmem>> -> memref<128xi32, #tpu.memory_space<vmem>>
      %dma_wait3A_608 = arith.constant 0 : i32
      %dma_wait3A_609 = arith.constant 0 : i32
      %dma_wait3A_610 = tpu.memref_slice %arg3[%dma_wait3A_608, %dma_wait3A_609] : memref<1003520x32xf32, #tpu.memory_space<hbm>> -> memref<1003520x32xf32, #tpu.memory_space<hbm>>
      tpu.wait_indirect_dma semaphore(%arg12 : memref<!tpu.dma_semaphore, #tpu.memory_space<semaphore_mem>>) src(%dma_wait3A_610 : memref<1003520x32xf32, #tpu.memory_space<hbm>>) dst(%dma_wait3A_606 : memref<128x32xf32, #tpu.memory_space<vmem>>)
      %dma_wait3A_611 = arith.constant 1 : i32
      %dma_wait3A_612 = arith.constant 128 : i32
      %dma_wait3A_613 = arith.constant 0 : i32
      %dma_wait3A_614 = tpu.memref_slice %arg8[%dma_wait3A_611, %dma_wait3A_612, %dma_wait3A_613] : memref<4x200x32xf32, #tpu.memory_space<vmem>> -> memref<1x72x32xf32, #tpu.memory_space<vmem>>
      %dma_wait3A_615 = tpu.memref_squeeze %dma_wait3A_614 : memref<1x72x32xf32, #tpu.memory_space<vmem>> -> memref<72x32xf32, #tpu.memory_space<vmem>>
      %dma_wait3A_616 = tpu.memref_slice %arg6[%add3A_514] : memref<25600xi32, #tpu.memory_space<vmem>> -> memref<72xi32, #tpu.memory_space<vmem>>
      %dma_wait3A_617 = arith.constant 0 : i32
      %dma_wait3A_618 = arith.constant 0 : i32
      %dma_wait3A_619 = tpu.memref_slice %arg3[%dma_wait3A_617, %dma_wait3A_618] : memref<1003520x32xf32, #tpu.memory_space<hbm>> -> memref<1003520x32xf32, #tpu.memory_space<hbm>>
      tpu.wait_indirect_dma semaphore(%arg12 : memref<!tpu.dma_semaphore, #tpu.memory_space<semaphore_mem>>) src(%dma_wait3A_619 : memref<1003520x32xf32, #tpu.memory_space<hbm>>) dst(%dma_wait3A_615 : memref<72x32xf32, #tpu.memory_space<vmem>>)
      %dma_wait3A_620 = arith.constant 2 : i32
      %dma_wait3A_621 = arith.constant 0 : i32
      %dma_wait3A_622 = arith.constant 0 : i32
      %dma_wait3A_623 = tpu.memref_slice %arg8[%dma_wait3A_620, %dma_wait3A_621, %dma_wait3A_622] : memref<4x200x32xf32, #tpu.memory_space<vmem>> -> memref<1x128x32xf32, #tpu.memory_space<vmem>>
      %dma_wait3A_624 = tpu.memref_squeeze %dma_wait3A_623 : memref<1x128x32xf32, #tpu.memory_space<vmem>> -> memref<128x32xf32, #tpu.memory_space<vmem>>
      %dma_wait3A_625 = tpu.memref_slice %arg6[%add3A_527] : memref<25600xi32, #tpu.memory_space<vmem>> -> memref<128xi32, #tpu.memory_space<vmem>>
      %dma_wait3A_626 = arith.constant 0 : i32
      %dma_wait3A_627 = arith.constant 0 : i32
      %dma_wait3A_628 = tpu.memref_slice %arg3[%dma_wait3A_626, %dma_wait3A_627] : memref<1003520x32xf32, #tpu.memory_space<hbm>> -> memref<1003520x32xf32, #tpu.memory_space<hbm>>
      tpu.wait_indirect_dma semaphore(%arg12 : memref<!tpu.dma_semaphore, #tpu.memory_space<semaphore_mem>>) src(%dma_wait3A_628 : memref<1003520x32xf32, #tpu.memory_space<hbm>>) dst(%dma_wait3A_624 : memref<128x32xf32, #tpu.memory_space<vmem>>)
      %dma_wait3A_629 = arith.constant 2 : i32
      %dma_wait3A_630 = arith.constant 128 : i32
      %dma_wait3A_631 = arith.constant 0 : i32
      %dma_wait3A_632 = tpu.memref_slice %arg8[%dma_wait3A_629, %dma_wait3A_630, %dma_wait3A_631] : memref<4x200x32xf32, #tpu.memory_space<vmem>> -> memref<1x72x32xf32, #tpu.memory_space<vmem>>
      %dma_wait3A_633 = tpu.memref_squeeze %dma_wait3A_632 : memref<1x72x32xf32, #tpu.memory_space<vmem>> -> memref<72x32xf32, #tpu.memory_space<vmem>>
      %dma_wait3A_634 = tpu.memref_slice %arg6[%add3A_540] : memref<25600xi32, #tpu.memory_space<vmem>> -> memref<72xi32, #tpu.memory_space<vmem>>
      %dma_wait3A_635 = arith.constant 0 : i32
      %dma_wait3A_636 = arith.constant 0 : i32
      %dma_wait3A_637 = tpu.memref_slice %arg3[%dma_wait3A_635, %dma_wait3A_636] : memref<1003520x32xf32, #tpu.memory_space<hbm>> -> memref<1003520x32xf32, #tpu.memory_space<hbm>>
      tpu.wait_indirect_dma semaphore(%arg12 : memref<!tpu.dma_semaphore, #tpu.memory_space<semaphore_mem>>) src(%dma_wait3A_637 : memref<1003520x32xf32, #tpu.memory_space<hbm>>) dst(%dma_wait3A_633 : memref<72x32xf32, #tpu.memory_space<vmem>>)
      %dma_wait3A_638 = arith.constant 3 : i32
      %dma_wait3A_639 = arith.constant 0 : i32
      %dma_wait3A_640 = arith.constant 0 : i32
      %dma_wait3A_641 = tpu.memref_slice %arg8[%dma_wait3A_638, %dma_wait3A_639, %dma_wait3A_640] : memref<4x200x32xf32, #tpu.memory_space<vmem>> -> memref<1x128x32xf32, #tpu.memory_space<vmem>>
      %dma_wait3A_642 = tpu.memref_squeeze %dma_wait3A_641 : memref<1x128x32xf32, #tpu.memory_space<vmem>> -> memref<128x32xf32, #tpu.memory_space<vmem>>
      %dma_wait3A_643 = tpu.memref_slice %arg6[%add3A_553] : memref<25600xi32, #tpu.memory_space<vmem>> -> memref<128xi32, #tpu.memory_space<vmem>>
      %dma_wait3A_644 = arith.constant 0 : i32
      %dma_wait3A_645 = arith.constant 0 : i32
      %dma_wait3A_646 = tpu.memref_slice %arg3[%dma_wait3A_644, %dma_wait3A_645] : memref<1003520x32xf32, #tpu.memory_space<hbm>> -> memref<1003520x32xf32, #tpu.memory_space<hbm>>
      tpu.wait_indirect_dma semaphore(%arg12 : memref<!tpu.dma_semaphore, #tpu.memory_space<semaphore_mem>>) src(%dma_wait3A_646 : memref<1003520x32xf32, #tpu.memory_space<hbm>>) dst(%dma_wait3A_642 : memref<128x32xf32, #tpu.memory_space<vmem>>)
      %dma_wait3A_647 = arith.constant 3 : i32
      %dma_wait3A_648 = arith.constant 128 : i32
      %dma_wait3A_649 = arith.constant 0 : i32
      %dma_wait3A_650 = tpu.memref_slice %arg8[%dma_wait3A_647, %dma_wait3A_648, %dma_wait3A_649] : memref<4x200x32xf32, #tpu.memory_space<vmem>> -> memref<1x72x32xf32, #tpu.memory_space<vmem>>
      %dma_wait3A_651 = tpu.memref_squeeze %dma_wait3A_650 : memref<1x72x32xf32, #tpu.memory_space<vmem>> -> memref<72x32xf32, #tpu.memory_space<vmem>>
      %dma_wait3A_652 = tpu.memref_slice %arg6[%add3A_566] : memref<25600xi32, #tpu.memory_space<vmem>> -> memref<72xi32, #tpu.memory_space<vmem>>
      %dma_wait3A_653 = arith.constant 0 : i32
      %dma_wait3A_654 = arith.constant 0 : i32
      %dma_wait3A_655 = tpu.memref_slice %arg3[%dma_wait3A_653, %dma_wait3A_654] : memref<1003520x32xf32, #tpu.memory_space<hbm>> -> memref<1003520x32xf32, #tpu.memory_space<hbm>>
      tpu.wait_indirect_dma semaphore(%arg12 : memref<!tpu.dma_semaphore, #tpu.memory_space<semaphore_mem>>) src(%dma_wait3A_655 : memref<1003520x32xf32, #tpu.memory_space<hbm>>) dst(%dma_wait3A_651 : memref<72x32xf32, #tpu.memory_space<vmem>>)
      %add3A_656 = arith.addi %multiple_of3A, %multiple_of3A_463 : i32
      %jit3A_657 = arith.constant 200 : i32
      %div3A_658 = arith.divsi %add3A_656, %jit3A_657 : i32
      %sign3A_659 = arith.constant 0 : i32
      %sign3A_660 = arith.cmpi sgt, %add3A_656, %sign3A_659 : i32
      %sign3A_661 = arith.extui %sign3A_660 : i1 to i32
      %sign3A_662 = arith.constant 0 : i32
      %sign3A_663 = arith.cmpi slt, %add3A_656, %sign3A_662 : i32
      %sign3A_664 = arith.extui %sign3A_663 : i1 to i32
      %sign3A_665 = arith.subi %sign3A_661, %sign3A_664 : i32
      %sign3A_666 = arith.constant 0 : i32
      %sign3A_667 = arith.cmpi sgt, %jit3A_657, %sign3A_666 : i32
      %sign3A_668 = arith.extui %sign3A_667 : i1 to i32
      %sign3A_669 = arith.constant 0 : i32
      %sign3A_670 = arith.cmpi slt, %jit3A_657, %sign3A_669 : i32
      %sign3A_671 = arith.extui %sign3A_670 : i1 to i32
      %sign3A_672 = arith.subi %sign3A_668, %sign3A_671 : i32
      %ne3A_673 = arith.cmpi ne, %sign3A_665, %sign3A_672 : i32
      %rem3A_674 = arith.remsi %add3A_656, %jit3A_657 : i32
      %ne3A_675 = arith.constant 0 : i32
      %ne3A_676 = arith.cmpi ne, %rem3A_674, %ne3A_675 : i32
      %and3A_677 = arith.andi %ne3A_673, %ne3A_676 : i1
      %sub3A_678 = arith.constant 1 : i32
      %sub3A_679 = arith.subi %div3A_658, %sub3A_678 : i32
      %select_n3A_680 = arith.select %and3A_677, %sub3A_679, %div3A_658 : i32
      %dma_start3A_681 = arith.constant 0 : i32
      %dma_start3A_682 = arith.constant 0 : i32
      %dma_start3A_683 = tpu.memref_slice %arg5[%select_n3A_680, %dma_start3A_681, %dma_start3A_682] : memref<4096x200x32xf32, #tpu.memory_space<hbm>> -> memref<4x200x32xf32, #tpu.memory_space<hbm>>
      %dma_start3A_684 = arith.constant 0 : i32
      %dma_start3A_685 = arith.constant 0 : i32
      %dma_start3A_686 = tpu.memref_slice %arg5[%select_n3A_680, %dma_start3A_684, %dma_start3A_685] : memref<4096x200x32xf32, #tpu.memory_space<hbm>> -> memref<4x200x32xf32, #tpu.memory_space<hbm>>
      tpu.enqueue_dma source(%arg8 : memref<4x200x32xf32, #tpu.memory_space<vmem>>) target(%dma_start3A_686 : memref<4x200x32xf32, #tpu.memory_space<hbm>>) target_semaphore(%arg13 : memref<!tpu.dma_semaphore, #tpu.memory_space<semaphore_mem>>)
      %mul3A_687 = arith.constant 2 : i32
      %mul3A_688 = arith.muli %mul3A_687, %scan3A_455 : i32
      %add3A_689 = arith.constant 2 : i32
      %add3A_690 = arith.addi %mul3A_688, %add3A_689 : i32
      %mul3A_691 = arith.constant 800 : i32
      %mul3A_692 = arith.muli %add3A_690, %mul3A_691 : i32
      %multiple_of3A_693 = tpu.assume_multiple %mul3A_692, 8 : i32
      %dma_wait3A_694 = arith.constant 0 : i32
      %dma_wait3A_695 = arith.constant 0 : i32
      %dma_wait3A_696 = arith.constant 0 : i32
      %dma_wait3A_697 = tpu.memref_slice %arg5[%dma_wait3A_694, %dma_wait3A_695, %dma_wait3A_696] : memref<4096x200x32xf32, #tpu.memory_space<hbm>> -> memref<4x200x32xf32, #tpu.memory_space<hbm>>
      %dma_wait3A_698 = arith.constant 0 : i32
      %dma_wait3A_699 = arith.constant 0 : i32
      %dma_wait3A_700 = arith.constant 0 : i32
      %dma_wait3A_701 = tpu.memref_slice %arg5[%dma_wait3A_698, %dma_wait3A_699, %dma_wait3A_700] : memref<4096x200x32xf32, #tpu.memory_space<hbm>> -> memref<4x200x32xf32, #tpu.memory_space<hbm>>
      tpu.wait_dma2 semaphore(%arg11 : memref<!tpu.dma_semaphore, #tpu.memory_space<semaphore_mem>>) src(%dma_wait3A_701 : memref<4x200x32xf32, #tpu.memory_space<hbm>>) dst(%arg7 : memref<4x200x32xf32, #tpu.memory_space<vmem>>)
      %add3A_702 = arith.constant 0 : i32
      %add3A_703 = arith.addi %multiple_of3A_693, %add3A_702 : i32
      %add3A_704 = arith.constant 0 : i32
      %add3A_705 = arith.addi %add3A_703, %add3A_704 : i32
      %dma_start3A_706 = arith.constant 0 : i32
      %dma_start3A_707 = arith.constant 0 : i32
      %dma_start3A_708 = arith.constant 0 : i32
      %dma_start3A_709 = tpu.memref_slice %arg7[%dma_start3A_706, %dma_start3A_707, %dma_start3A_708] : memref<4x200x32xf32, #tpu.memory_space<vmem>> -> memref<1x128x32xf32, #tpu.memory_space<vmem>>
      %dma_start3A_710 = tpu.memref_squeeze %dma_start3A_709 : memref<1x128x32xf32, #tpu.memory_space<vmem>> -> memref<128x32xf32, #tpu.memory_space<vmem>>
      %dma_start3A_711 = tpu.memref_slice %arg6[%add3A_705] : memref<25600xi32, #tpu.memory_space<vmem>> -> memref<128xi32, #tpu.memory_space<vmem>>
      %dma_start3A_712 = arith.constant 0 : i32
      %dma_start3A_713 = arith.constant 0 : i32
      %dma_start3A_714 = tpu.memref_slice %arg3[%dma_start3A_712, %dma_start3A_713] : memref<1003520x32xf32, #tpu.memory_space<hbm>> -> memref<1003520x32xf32, #tpu.memory_space<hbm>>
      tpu.enqueue_indirect_dma source(%dma_start3A_714 : memref<1003520x32xf32, #tpu.memory_space<hbm>>) target(%dma_start3A_710 : memref<128x32xf32, #tpu.memory_space<vmem>>) offsets(%dma_start3A_711 : memref<128xi32, #tpu.memory_space<vmem>>) semaphore(%arg12 : memref<!tpu.dma_semaphore, #tpu.memory_space<semaphore_mem>>) {add = true}
      %add3A_715 = arith.constant 0 : i32
      %add3A_716 = arith.addi %multiple_of3A_693, %add3A_715 : i32
      %add3A_717 = arith.constant 128 : i32
      %add3A_718 = arith.addi %add3A_716, %add3A_717 : i32
      %dma_start3A_719 = arith.constant 0 : i32
      %dma_start3A_720 = arith.constant 128 : i32
      %dma_start3A_721 = arith.constant 0 : i32
      %dma_start3A_722 = tpu.memref_slice %arg7[%dma_start3A_719, %dma_start3A_720, %dma_start3A_721] : memref<4x200x32xf32, #tpu.memory_space<vmem>> -> memref<1x72x32xf32, #tpu.memory_space<vmem>>
      %dma_start3A_723 = tpu.memref_squeeze %dma_start3A_722 : memref<1x72x32xf32, #tpu.memory_space<vmem>> -> memref<72x32xf32, #tpu.memory_space<vmem>>
      %dma_start3A_724 = tpu.memref_slice %arg6[%add3A_718] : memref<25600xi32, #tpu.memory_space<vmem>> -> memref<72xi32, #tpu.memory_space<vmem>>
      %dma_start3A_725 = arith.constant 0 : i32
      %dma_start3A_726 = arith.constant 0 : i32
      %dma_start3A_727 = tpu.memref_slice %arg3[%dma_start3A_725, %dma_start3A_726] : memref<1003520x32xf32, #tpu.memory_space<hbm>> -> memref<1003520x32xf32, #tpu.memory_space<hbm>>
      tpu.enqueue_indirect_dma source(%dma_start3A_727 : memref<1003520x32xf32, #tpu.memory_space<hbm>>) target(%dma_start3A_723 : memref<72x32xf32, #tpu.memory_space<vmem>>) offsets(%dma_start3A_724 : memref<72xi32, #tpu.memory_space<vmem>>) semaphore(%arg12 : memref<!tpu.dma_semaphore, #tpu.memory_space<semaphore_mem>>) {add = true}
      %add3A_728 = arith.constant 200 : i32
      %add3A_729 = arith.addi %multiple_of3A_693, %add3A_728 : i32
      %add3A_730 = arith.constant 0 : i32
      %add3A_731 = arith.addi %add3A_729, %add3A_730 : i32
      %dma_start3A_732 = arith.constant 1 : i32
      %dma_start3A_733 = arith.constant 0 : i32
      %dma_start3A_734 = arith.constant 0 : i32
      %dma_start3A_735 = tpu.memref_slice %arg7[%dma_start3A_732, %dma_start3A_733, %dma_start3A_734] : memref<4x200x32xf32, #tpu.memory_space<vmem>> -> memref<1x128x32xf32, #tpu.memory_space<vmem>>
      %dma_start3A_736 = tpu.memref_squeeze %dma_start3A_735 : memref<1x128x32xf32, #tpu.memory_space<vmem>> -> memref<128x32xf32, #tpu.memory_space<vmem>>
      %dma_start3A_737 = tpu.memref_slice %arg6[%add3A_731] : memref<25600xi32, #tpu.memory_space<vmem>> -> memref<128xi32, #tpu.memory_space<vmem>>
      %dma_start3A_738 = arith.constant 0 : i32
      %dma_start3A_739 = arith.constant 0 : i32
      %dma_start3A_740 = tpu.memref_slice %arg3[%dma_start3A_738, %dma_start3A_739] : memref<1003520x32xf32, #tpu.memory_space<hbm>> -> memref<1003520x32xf32, #tpu.memory_space<hbm>>
      tpu.enqueue_indirect_dma source(%dma_start3A_740 : memref<1003520x32xf32, #tpu.memory_space<hbm>>) target(%dma_start3A_736 : memref<128x32xf32, #tpu.memory_space<vmem>>) offsets(%dma_start3A_737 : memref<128xi32, #tpu.memory_space<vmem>>) semaphore(%arg12 : memref<!tpu.dma_semaphore, #tpu.memory_space<semaphore_mem>>) {add = true}
      %add3A_741 = arith.constant 200 : i32
      %add3A_742 = arith.addi %multiple_of3A_693, %add3A_741 : i32
      %add3A_743 = arith.constant 128 : i32
      %add3A_744 = arith.addi %add3A_742, %add3A_743 : i32
      %dma_start3A_745 = arith.constant 1 : i32
      %dma_start3A_746 = arith.constant 128 : i32
      %dma_start3A_747 = arith.constant 0 : i32
      %dma_start3A_748 = tpu.memref_slice %arg7[%dma_start3A_745, %dma_start3A_746, %dma_start3A_747] : memref<4x200x32xf32, #tpu.memory_space<vmem>> -> memref<1x72x32xf32, #tpu.memory_space<vmem>>
      %dma_start3A_749 = tpu.memref_squeeze %dma_start3A_748 : memref<1x72x32xf32, #tpu.memory_space<vmem>> -> memref<72x32xf32, #tpu.memory_space<vmem>>
      %dma_start3A_750 = tpu.memref_slice %arg6[%add3A_744] : memref<25600xi32, #tpu.memory_space<vmem>> -> memref<72xi32, #tpu.memory_space<vmem>>
      %dma_start3A_751 = arith.constant 0 : i32
      %dma_start3A_752 = arith.constant 0 : i32
      %dma_start3A_753 = tpu.memref_slice %arg3[%dma_start3A_751, %dma_start3A_752] : memref<1003520x32xf32, #tpu.memory_space<hbm>> -> memref<1003520x32xf32, #tpu.memory_space<hbm>>
      tpu.enqueue_indirect_dma source(%dma_start3A_753 : memref<1003520x32xf32, #tpu.memory_space<hbm>>) target(%dma_start3A_749 : memref<72x32xf32, #tpu.memory_space<vmem>>) offsets(%dma_start3A_750 : memref<72xi32, #tpu.memory_space<vmem>>) semaphore(%arg12 : memref<!tpu.dma_semaphore, #tpu.memory_space<semaphore_mem>>) {add = true}
      %add3A_754 = arith.constant 400 : i32
      %add3A_755 = arith.addi %multiple_of3A_693, %add3A_754 : i32
      %add3A_756 = arith.constant 0 : i32
      %add3A_757 = arith.addi %add3A_755, %add3A_756 : i32
      %dma_start3A_758 = arith.constant 2 : i32
      %dma_start3A_759 = arith.constant 0 : i32
      %dma_start3A_760 = arith.constant 0 : i32
      %dma_start3A_761 = tpu.memref_slice %arg7[%dma_start3A_758, %dma_start3A_759, %dma_start3A_760] : memref<4x200x32xf32, #tpu.memory_space<vmem>> -> memref<1x128x32xf32, #tpu.memory_space<vmem>>
      %dma_start3A_762 = tpu.memref_squeeze %dma_start3A_761 : memref<1x128x32xf32, #tpu.memory_space<vmem>> -> memref<128x32xf32, #tpu.memory_space<vmem>>
      %dma_start3A_763 = tpu.memref_slice %arg6[%add3A_757] : memref<25600xi32, #tpu.memory_space<vmem>> -> memref<128xi32, #tpu.memory_space<vmem>>
      %dma_start3A_764 = arith.constant 0 : i32
      %dma_start3A_765 = arith.constant 0 : i32
      %dma_start3A_766 = tpu.memref_slice %arg3[%dma_start3A_764, %dma_start3A_765] : memref<1003520x32xf32, #tpu.memory_space<hbm>> -> memref<1003520x32xf32, #tpu.memory_space<hbm>>
      tpu.enqueue_indirect_dma source(%dma_start3A_766 : memref<1003520x32xf32, #tpu.memory_space<hbm>>) target(%dma_start3A_762 : memref<128x32xf32, #tpu.memory_space<vmem>>) offsets(%dma_start3A_763 : memref<128xi32, #tpu.memory_space<vmem>>) semaphore(%arg12 : memref<!tpu.dma_semaphore, #tpu.memory_space<semaphore_mem>>) {add = true}
      %add3A_767 = arith.constant 400 : i32
      %add3A_768 = arith.addi %multiple_of3A_693, %add3A_767 : i32
      %add3A_769 = arith.constant 128 : i32
      %add3A_770 = arith.addi %add3A_768, %add3A_769 : i32
      %dma_start3A_771 = arith.constant 2 : i32
      %dma_start3A_772 = arith.constant 128 : i32
      %dma_start3A_773 = arith.constant 0 : i32
      %dma_start3A_774 = tpu.memref_slice %arg7[%dma_start3A_771, %dma_start3A_772, %dma_start3A_773] : memref<4x200x32xf32, #tpu.memory_space<vmem>> -> memref<1x72x32xf32, #tpu.memory_space<vmem>>
      %dma_start3A_775 = tpu.memref_squeeze %dma_start3A_774 : memref<1x72x32xf32, #tpu.memory_space<vmem>> -> memref<72x32xf32, #tpu.memory_space<vmem>>
      %dma_start3A_776 = tpu.memref_slice %arg6[%add3A_770] : memref<25600xi32, #tpu.memory_space<vmem>> -> memref<72xi32, #tpu.memory_space<vmem>>
      %dma_start3A_777 = arith.constant 0 : i32
      %dma_start3A_778 = arith.constant 0 : i32
      %dma_start3A_779 = tpu.memref_slice %arg3[%dma_start3A_777, %dma_start3A_778] : memref<1003520x32xf32, #tpu.memory_space<hbm>> -> memref<1003520x32xf32, #tpu.memory_space<hbm>>
      tpu.enqueue_indirect_dma source(%dma_start3A_779 : memref<1003520x32xf32, #tpu.memory_space<hbm>>) target(%dma_start3A_775 : memref<72x32xf32, #tpu.memory_space<vmem>>) offsets(%dma_start3A_776 : memref<72xi32, #tpu.memory_space<vmem>>) semaphore(%arg12 : memref<!tpu.dma_semaphore, #tpu.memory_space<semaphore_mem>>) {add = true}
      %add3A_780 = arith.constant 600 : i32
      %add3A_781 = arith.addi %multiple_of3A_693, %add3A_780 : i32
      %add3A_782 = arith.constant 0 : i32
      %add3A_783 = arith.addi %add3A_781, %add3A_782 : i32
      %dma_start3A_784 = arith.constant 3 : i32
      %dma_start3A_785 = arith.constant 0 : i32
      %dma_start3A_786 = arith.constant 0 : i32
      %dma_start3A_787 = tpu.memref_slice %arg7[%dma_start3A_784, %dma_start3A_785, %dma_start3A_786] : memref<4x200x32xf32, #tpu.memory_space<vmem>> -> memref<1x128x32xf32, #tpu.memory_space<vmem>>
      %dma_start3A_788 = tpu.memref_squeeze %dma_start3A_787 : memref<1x128x32xf32, #tpu.memory_space<vmem>> -> memref<128x32xf32, #tpu.memory_space<vmem>>
      %dma_start3A_789 = tpu.memref_slice %arg6[%add3A_783] : memref<25600xi32, #tpu.memory_space<vmem>> -> memref<128xi32, #tpu.memory_space<vmem>>
      %dma_start3A_790 = arith.constant 0 : i32
      %dma_start3A_791 = arith.constant 0 : i32
      %dma_start3A_792 = tpu.memref_slice %arg3[%dma_start3A_790, %dma_start3A_791] : memref<1003520x32xf32, #tpu.memory_space<hbm>> -> memref<1003520x32xf32, #tpu.memory_space<hbm>>
      tpu.enqueue_indirect_dma source(%dma_start3A_792 : memref<1003520x32xf32, #tpu.memory_space<hbm>>) target(%dma_start3A_788 : memref<128x32xf32, #tpu.memory_space<vmem>>) offsets(%dma_start3A_789 : memref<128xi32, #tpu.memory_space<vmem>>) semaphore(%arg12 : memref<!tpu.dma_semaphore, #tpu.memory_space<semaphore_mem>>) {add = true}
      %add3A_793 = arith.constant 600 : i32
      %add3A_794 = arith.addi %multiple_of3A_693, %add3A_793 : i32
      %add3A_795 = arith.constant 128 : i32
      %add3A_796 = arith.addi %add3A_794, %add3A_795 : i32
      %dma_start3A_797 = arith.constant 3 : i32
      %dma_start3A_798 = arith.constant 128 : i32
      %dma_start3A_799 = arith.constant 0 : i32
      %dma_start3A_800 = tpu.memref_slice %arg7[%dma_start3A_797, %dma_start3A_798, %dma_start3A_799] : memref<4x200x32xf32, #tpu.memory_space<vmem>> -> memref<1x72x32xf32, #tpu.memory_space<vmem>>
      %dma_start3A_801 = tpu.memref_squeeze %dma_start3A_800 : memref<1x72x32xf32, #tpu.memory_space<vmem>> -> memref<72x32xf32, #tpu.memory_space<vmem>>
      %dma_start3A_802 = tpu.memref_slice %arg6[%add3A_796] : memref<25600xi32, #tpu.memory_space<vmem>> -> memref<72xi32, #tpu.memory_space<vmem>>
      %dma_start3A_803 = arith.constant 0 : i32
      %dma_start3A_804 = arith.constant 0 : i32
      %dma_start3A_805 = tpu.memref_slice %arg3[%dma_start3A_803, %dma_start3A_804] : memref<1003520x32xf32, #tpu.memory_space<hbm>> -> memref<1003520x32xf32, #tpu.memory_space<hbm>>
      tpu.enqueue_indirect_dma source(%dma_start3A_805 : memref<1003520x32xf32, #tpu.memory_space<hbm>>) target(%dma_start3A_801 : memref<72x32xf32, #tpu.memory_space<vmem>>) offsets(%dma_start3A_802 : memref<72xi32, #tpu.memory_space<vmem>>) semaphore(%arg12 : memref<!tpu.dma_semaphore, #tpu.memory_space<semaphore_mem>>) {add = true}
      %dma_wait3A_806 = arith.constant 0 : i32
      %dma_wait3A_807 = arith.constant 0 : i32
      %dma_wait3A_808 = arith.constant 0 : i32
      %dma_wait3A_809 = tpu.memref_slice %arg5[%dma_wait3A_806, %dma_wait3A_807, %dma_wait3A_808] : memref<4096x200x32xf32, #tpu.memory_space<hbm>> -> memref<4x200x32xf32, #tpu.memory_space<hbm>>
      %dma_wait3A_810 = arith.constant 0 : i32
      %dma_wait3A_811 = arith.constant 0 : i32
      %dma_wait3A_812 = arith.constant 0 : i32
      %dma_wait3A_813 = tpu.memref_slice %arg5[%dma_wait3A_810, %dma_wait3A_811, %dma_wait3A_812] : memref<4096x200x32xf32, #tpu.memory_space<hbm>> -> memref<4x200x32xf32, #tpu.memory_space<hbm>>
      tpu.wait_dma2 semaphore(%arg13 : memref<!tpu.dma_semaphore, #tpu.memory_space<semaphore_mem>>) src(%dma_wait3A_813 : memref<4x200x32xf32, #tpu.memory_space<hbm>>) dst(%arg8 : memref<4x200x32xf32, #tpu.memory_space<vmem>>)
      tpu.enqueue_dma source(%arg9 : memref<4x200x32xf32, #tpu.memory_space<vmem_shared>>) target(%arg8 : memref<4x200x32xf32, #tpu.memory_space<vmem>>) target_semaphore(%arg11 : memref<!tpu.dma_semaphore, #tpu.memory_space<semaphore_mem>>)
      %dma_wait3A_814 = arith.constant 0 : i32
      %dma_wait3A_815 = arith.constant 0 : i32
      %dma_wait3A_816 = arith.constant 0 : i32
      %dma_wait3A_817 = tpu.memref_slice %arg7[%dma_wait3A_814, %dma_wait3A_815, %dma_wait3A_816] : memref<4x200x32xf32, #tpu.memory_space<vmem>> -> memref<1x128x32xf32, #tpu.memory_space<vmem>>
      %dma_wait3A_818 = tpu.memref_squeeze %dma_wait3A_817 : memref<1x128x32xf32, #tpu.memory_space<vmem>> -> memref<128x32xf32, #tpu.memory_space<vmem>>
      %dma_wait3A_819 = tpu.memref_slice %arg6[%add3A_705] : memref<25600xi32, #tpu.memory_space<vmem>> -> memref<128xi32, #tpu.memory_space<vmem>>
      %dma_wait3A_820 = arith.constant 0 : i32
      %dma_wait3A_821 = arith.constant 0 : i32
      %dma_wait3A_822 = tpu.memref_slice %arg3[%dma_wait3A_820, %dma_wait3A_821] : memref<1003520x32xf32, #tpu.memory_space<hbm>> -> memref<1003520x32xf32, #tpu.memory_space<hbm>>
      tpu.wait_indirect_dma semaphore(%arg12 : memref<!tpu.dma_semaphore, #tpu.memory_space<semaphore_mem>>) src(%dma_wait3A_822 : memref<1003520x32xf32, #tpu.memory_space<hbm>>) dst(%dma_wait3A_818 : memref<128x32xf32, #tpu.memory_space<vmem>>)
      %dma_wait3A_823 = arith.constant 0 : i32
      %dma_wait3A_824 = arith.constant 128 : i32
      %dma_wait3A_825 = arith.constant 0 : i32
      %dma_wait3A_826 = tpu.memref_slice %arg7[%dma_wait3A_823, %dma_wait3A_824, %dma_wait3A_825] : memref<4x200x32xf32, #tpu.memory_space<vmem>> -> memref<1x72x32xf32, #tpu.memory_space<vmem>>
      %dma_wait3A_827 = tpu.memref_squeeze %dma_wait3A_826 : memref<1x72x32xf32, #tpu.memory_space<vmem>> -> memref<72x32xf32, #tpu.memory_space<vmem>>
      %dma_wait3A_828 = tpu.memref_slice %arg6[%add3A_718] : memref<25600xi32, #tpu.memory_space<vmem>> -> memref<72xi32, #tpu.memory_space<vmem>>
      %dma_wait3A_829 = arith.constant 0 : i32
      %dma_wait3A_830 = arith.constant 0 : i32
      %dma_wait3A_831 = tpu.memref_slice %arg3[%dma_wait3A_829, %dma_wait3A_830] : memref<1003520x32xf32, #tpu.memory_space<hbm>> -> memref<1003520x32xf32, #tpu.memory_space<hbm>>
      tpu.wait_indirect_dma semaphore(%arg12 : memref<!tpu.dma_semaphore, #tpu.memory_space<semaphore_mem>>) src(%dma_wait3A_831 : memref<1003520x32xf32, #tpu.memory_space<hbm>>) dst(%dma_wait3A_827 : memref<72x32xf32, #tpu.memory_space<vmem>>)
      %dma_wait3A_832 = arith.constant 1 : i32
      %dma_wait3A_833 = arith.constant 0 : i32
      %dma_wait3A_834 = arith.constant 0 : i32
      %dma_wait3A_835 = tpu.memref_slice %arg7[%dma_wait3A_832, %dma_wait3A_833, %dma_wait3A_834] : memref<4x200x32xf32, #tpu.memory_space<vmem>> -> memref<1x128x32xf32, #tpu.memory_space<vmem>>
      %dma_wait3A_836 = tpu.memref_squeeze %dma_wait3A_835 : memref<1x128x32xf32, #tpu.memory_space<vmem>> -> memref<128x32xf32, #tpu.memory_space<vmem>>
      %dma_wait3A_837 = tpu.memref_slice %arg6[%add3A_731] : memref<25600xi32, #tpu.memory_space<vmem>> -> memref<128xi32, #tpu.memory_space<vmem>>
      %dma_wait3A_838 = arith.constant 0 : i32
      %dma_wait3A_839 = arith.constant 0 : i32
      %dma_wait3A_840 = tpu.memref_slice %arg3[%dma_wait3A_838, %dma_wait3A_839] : memref<1003520x32xf32, #tpu.memory_space<hbm>> -> memref<1003520x32xf32, #tpu.memory_space<hbm>>
      tpu.wait_indirect_dma semaphore(%arg12 : memref<!tpu.dma_semaphore, #tpu.memory_space<semaphore_mem>>) src(%dma_wait3A_840 : memref<1003520x32xf32, #tpu.memory_space<hbm>>) dst(%dma_wait3A_836 : memref<128x32xf32, #tpu.memory_space<vmem>>)
      %dma_wait3A_841 = arith.constant 1 : i32
      %dma_wait3A_842 = arith.constant 128 : i32
      %dma_wait3A_843 = arith.constant 0 : i32
      %dma_wait3A_844 = tpu.memref_slice %arg7[%dma_wait3A_841, %dma_wait3A_842, %dma_wait3A_843] : memref<4x200x32xf32, #tpu.memory_space<vmem>> -> memref<1x72x32xf32, #tpu.memory_space<vmem>>
      %dma_wait3A_845 = tpu.memref_squeeze %dma_wait3A_844 : memref<1x72x32xf32, #tpu.memory_space<vmem>> -> memref<72x32xf32, #tpu.memory_space<vmem>>
      %dma_wait3A_846 = tpu.memref_slice %arg6[%add3A_744] : memref<25600xi32, #tpu.memory_space<vmem>> -> memref<72xi32, #tpu.memory_space<vmem>>
      %dma_wait3A_847 = arith.constant 0 : i32
      %dma_wait3A_848 = arith.constant 0 : i32
      %dma_wait3A_849 = tpu.memref_slice %arg3[%dma_wait3A_847, %dma_wait3A_848] : memref<1003520x32xf32, #tpu.memory_space<hbm>> -> memref<1003520x32xf32, #tpu.memory_space<hbm>>
      tpu.wait_indirect_dma semaphore(%arg12 : memref<!tpu.dma_semaphore, #tpu.memory_space<semaphore_mem>>) src(%dma_wait3A_849 : memref<1003520x32xf32, #tpu.memory_space<hbm>>) dst(%dma_wait3A_845 : memref<72x32xf32, #tpu.memory_space<vmem>>)
      %dma_wait3A_850 = arith.constant 2 : i32
      %dma_wait3A_851 = arith.constant 0 : i32
      %dma_wait3A_852 = arith.constant 0 : i32
      %dma_wait3A_853 = tpu.memref_slice %arg7[%dma_wait3A_850, %dma_wait3A_851, %dma_wait3A_852] : memref<4x200x32xf32, #tpu.memory_space<vmem>> -> memref<1x128x32xf32, #tpu.memory_space<vmem>>
      %dma_wait3A_854 = tpu.memref_squeeze %dma_wait3A_853 : memref<1x128x32xf32, #tpu.memory_space<vmem>> -> memref<128x32xf32, #tpu.memory_space<vmem>>
      %dma_wait3A_855 = tpu.memref_slice %arg6[%add3A_757] : memref<25600xi32, #tpu.memory_space<vmem>> -> memref<128xi32, #tpu.memory_space<vmem>>
      %dma_wait3A_856 = arith.constant 0 : i32
      %dma_wait3A_857 = arith.constant 0 : i32
      %dma_wait3A_858 = tpu.memref_slice %arg3[%dma_wait3A_856, %dma_wait3A_857] : memref<1003520x32xf32, #tpu.memory_space<hbm>> -> memref<1003520x32xf32, #tpu.memory_space<hbm>>
      tpu.wait_indirect_dma semaphore(%arg12 : memref<!tpu.dma_semaphore, #tpu.memory_space<semaphore_mem>>) src(%dma_wait3A_858 : memref<1003520x32xf32, #tpu.memory_space<hbm>>) dst(%dma_wait3A_854 : memref<128x32xf32, #tpu.memory_space<vmem>>)
      %dma_wait3A_859 = arith.constant 2 : i32
      %dma_wait3A_860 = arith.constant 128 : i32
      %dma_wait3A_861 = arith.constant 0 : i32
      %dma_wait3A_862 = tpu.memref_slice %arg7[%dma_wait3A_859, %dma_wait3A_860, %dma_wait3A_861] : memref<4x200x32xf32, #tpu.memory_space<vmem>> -> memref<1x72x32xf32, #tpu.memory_space<vmem>>
      %dma_wait3A_863 = tpu.memref_squeeze %dma_wait3A_862 : memref<1x72x32xf32, #tpu.memory_space<vmem>> -> memref<72x32xf32, #tpu.memory_space<vmem>>
      %dma_wait3A_864 = tpu.memref_slice %arg6[%add3A_770] : memref<25600xi32, #tpu.memory_space<vmem>> -> memref<72xi32, #tpu.memory_space<vmem>>
      %dma_wait3A_865 = arith.constant 0 : i32
      %dma_wait3A_866 = arith.constant 0 : i32
      %dma_wait3A_867 = tpu.memref_slice %arg3[%dma_wait3A_865, %dma_wait3A_866] : memref<1003520x32xf32, #tpu.memory_space<hbm>> -> memref<1003520x32xf32, #tpu.memory_space<hbm>>
      tpu.wait_indirect_dma semaphore(%arg12 : memref<!tpu.dma_semaphore, #tpu.memory_space<semaphore_mem>>) src(%dma_wait3A_867 : memref<1003520x32xf32, #tpu.memory_space<hbm>>) dst(%dma_wait3A_863 : memref<72x32xf32, #tpu.memory_space<vmem>>)
      %dma_wait3A_868 = arith.constant 3 : i32
      %dma_wait3A_869 = arith.constant 0 : i32
      %dma_wait3A_870 = arith.constant 0 : i32
      %dma_wait3A_871 = tpu.memref_slice %arg7[%dma_wait3A_868, %dma_wait3A_869, %dma_wait3A_870] : memref<4x200x32xf32, #tpu.memory_space<vmem>> -> memref<1x128x32xf32, #tpu.memory_space<vmem>>
      %dma_wait3A_872 = tpu.memref_squeeze %dma_wait3A_871 : memref<1x128x32xf32, #tpu.memory_space<vmem>> -> memref<128x32xf32, #tpu.memory_space<vmem>>
      %dma_wait3A_873 = tpu.memref_slice %arg6[%add3A_783] : memref<25600xi32, #tpu.memory_space<vmem>> -> memref<128xi32, #tpu.memory_space<vmem>>
      %dma_wait3A_874 = arith.constant 0 : i32
      %dma_wait3A_875 = arith.constant 0 : i32
      %dma_wait3A_876 = tpu.memref_slice %arg3[%dma_wait3A_874, %dma_wait3A_875] : memref<1003520x32xf32, #tpu.memory_space<hbm>> -> memref<1003520x32xf32, #tpu.memory_space<hbm>>
      tpu.wait_indirect_dma semaphore(%arg12 : memref<!tpu.dma_semaphore, #tpu.memory_space<semaphore_mem>>) src(%dma_wait3A_876 : memref<1003520x32xf32, #tpu.memory_space<hbm>>) dst(%dma_wait3A_872 : memref<128x32xf32, #tpu.memory_space<vmem>>)
      %dma_wait3A_877 = arith.constant 3 : i32
      %dma_wait3A_878 = arith.constant 128 : i32
      %dma_wait3A_879 = arith.constant 0 : i32
      %dma_wait3A_880 = tpu.memref_slice %arg7[%dma_wait3A_877, %dma_wait3A_878, %dma_wait3A_879] : memref<4x200x32xf32, #tpu.memory_space<vmem>> -> memref<1x72x32xf32, #tpu.memory_space<vmem>>
      %dma_wait3A_881 = tpu.memref_squeeze %dma_wait3A_880 : memref<1x72x32xf32, #tpu.memory_space<vmem>> -> memref<72x32xf32, #tpu.memory_space<vmem>>
      %dma_wait3A_882 = tpu.memref_slice %arg6[%add3A_796] : memref<25600xi32, #tpu.memory_space<vmem>> -> memref<72xi32, #tpu.memory_space<vmem>>
      %dma_wait3A_883 = arith.constant 0 : i32
      %dma_wait3A_884 = arith.constant 0 : i32
      %dma_wait3A_885 = tpu.memref_slice %arg3[%dma_wait3A_883, %dma_wait3A_884] : memref<1003520x32xf32, #tpu.memory_space<hbm>> -> memref<1003520x32xf32, #tpu.memory_space<hbm>>
      tpu.wait_indirect_dma semaphore(%arg12 : memref<!tpu.dma_semaphore, #tpu.memory_space<semaphore_mem>>) src(%dma_wait3A_885 : memref<1003520x32xf32, #tpu.memory_space<hbm>>) dst(%dma_wait3A_881 : memref<72x32xf32, #tpu.memory_space<vmem>>)
      %add3A_886 = arith.addi %multiple_of3A, %multiple_of3A_693 : i32
      %jit3A_887 = arith.constant 200 : i32
      %div3A_888 = arith.divsi %add3A_886, %jit3A_887 : i32
      %sign3A_889 = arith.constant 0 : i32
      %sign3A_890 = arith.cmpi sgt, %add3A_886, %sign3A_889 : i32
      %sign3A_891 = arith.extui %sign3A_890 : i1 to i32
      %sign3A_892 = arith.constant 0 : i32
      %sign3A_893 = arith.cmpi slt, %add3A_886, %sign3A_892 : i32
      %sign3A_894 = arith.extui %sign3A_893 : i1 to i32
      %sign3A_895 = arith.subi %sign3A_891, %sign3A_894 : i32
      %sign3A_896 = arith.constant 0 : i32
      %sign3A_897 = arith.cmpi sgt, %jit3A_887, %sign3A_896 : i32
      %sign3A_898 = arith.extui %sign3A_897 : i1 to i32
      %sign3A_899 = arith.constant 0 : i32
      %sign3A_900 = arith.cmpi slt, %jit3A_887, %sign3A_899 : i32
      %sign3A_901 = arith.extui %sign3A_900 : i1 to i32
      %sign3A_902 = arith.subi %sign3A_898, %sign3A_901 : i32
      %ne3A_903 = arith.cmpi ne, %sign3A_895, %sign3A_902 : i32
      %rem3A_904 = arith.remsi %add3A_886, %jit3A_887 : i32
      %ne3A_905 = arith.constant 0 : i32
      %ne3A_906 = arith.cmpi ne, %rem3A_904, %ne3A_905 : i32
      %and3A_907 = arith.andi %ne3A_903, %ne3A_906 : i1
      %sub3A_908 = arith.constant 1 : i32
      %sub3A_909 = arith.subi %div3A_888, %sub3A_908 : i32
      %select_n3A_910 = arith.select %and3A_907, %sub3A_909, %div3A_888 : i32
      %dma_start3A_911 = arith.constant 0 : i32
      %dma_start3A_912 = arith.constant 0 : i32
      %dma_start3A_913 = tpu.memref_slice %arg5[%select_n3A_910, %dma_start3A_911, %dma_start3A_912] : memref<4096x200x32xf32, #tpu.memory_space<hbm>> -> memref<4x200x32xf32, #tpu.memory_space<hbm>>
      %dma_start3A_914 = arith.constant 0 : i32
      %dma_start3A_915 = arith.constant 0 : i32
      %dma_start3A_916 = tpu.memref_slice %arg5[%select_n3A_910, %dma_start3A_914, %dma_start3A_915] : memref<4096x200x32xf32, #tpu.memory_space<hbm>> -> memref<4x200x32xf32, #tpu.memory_space<hbm>>
      tpu.enqueue_dma source(%arg7 : memref<4x200x32xf32, #tpu.memory_space<vmem>>) target(%dma_start3A_916 : memref<4x200x32xf32, #tpu.memory_space<hbm>>) target_semaphore(%arg13 : memref<!tpu.dma_semaphore, #tpu.memory_space<semaphore_mem>>)
      %scan3A_917 = arith.constant 0 : i32
      scf.yield %scan3A_917 : i32
    }
    %scan3A_221 = arith.constant 15 : i32
    %multiple_of3A_222 = arith.constant 24800 : i32
    %multiple_of3A_223 = tpu.assume_multiple %multiple_of3A_222, 8 : i32
    %dma_wait3A_224 = arith.constant 0 : i32
    %dma_wait3A_225 = arith.constant 0 : i32
    %dma_wait3A_226 = arith.constant 0 : i32
    %dma_wait3A_227 = tpu.memref_slice %arg5[%dma_wait3A_224, %dma_wait3A_225, %dma_wait3A_226] : memref<4096x200x32xf32, #tpu.memory_space<hbm>> -> memref<4x200x32xf32, #tpu.memory_space<hbm>>
    %dma_wait3A_228 = arith.constant 0 : i32
    %dma_wait3A_229 = arith.constant 0 : i32
    %dma_wait3A_230 = arith.constant 0 : i32
    %dma_wait3A_231 = tpu.memref_slice %arg5[%dma_wait3A_228, %dma_wait3A_229, %dma_wait3A_230] : memref<4096x200x32xf32, #tpu.memory_space<hbm>> -> memref<4x200x32xf32, #tpu.memory_space<hbm>>
    tpu.wait_dma2 semaphore(%arg11 : memref<!tpu.dma_semaphore, #tpu.memory_space<semaphore_mem>>) src(%dma_wait3A_231 : memref<4x200x32xf32, #tpu.memory_space<hbm>>) dst(%arg8 : memref<4x200x32xf32, #tpu.memory_space<vmem>>)
    %add3A_232 = arith.constant 0 : i32
    %add3A_233 = arith.addi %multiple_of3A_223, %add3A_232 : i32
    %add3A_234 = arith.constant 0 : i32
    %add3A_235 = arith.addi %add3A_233, %add3A_234 : i32
    %dma_start3A_236 = arith.constant 0 : i32
    %dma_start3A_237 = arith.constant 0 : i32
    %dma_start3A_238 = arith.constant 0 : i32
    %dma_start3A_239 = tpu.memref_slice %arg8[%dma_start3A_236, %dma_start3A_237, %dma_start3A_238] : memref<4x200x32xf32, #tpu.memory_space<vmem>> -> memref<1x128x32xf32, #tpu.memory_space<vmem>>
    %dma_start3A_240 = tpu.memref_squeeze %dma_start3A_239 : memref<1x128x32xf32, #tpu.memory_space<vmem>> -> memref<128x32xf32, #tpu.memory_space<vmem>>
    %dma_start3A_241 = tpu.memref_slice %arg6[%add3A_235] : memref<25600xi32, #tpu.memory_space<vmem>> -> memref<128xi32, #tpu.memory_space<vmem>>
    %dma_start3A_242 = arith.constant 0 : i32
    %dma_start3A_243 = arith.constant 0 : i32
    %dma_start3A_244 = tpu.memref_slice %arg3[%dma_start3A_242, %dma_start3A_243] : memref<1003520x32xf32, #tpu.memory_space<hbm>> -> memref<1003520x32xf32, #tpu.memory_space<hbm>>
    tpu.enqueue_indirect_dma source(%dma_start3A_244 : memref<1003520x32xf32, #tpu.memory_space<hbm>>) target(%dma_start3A_240 : memref<128x32xf32, #tpu.memory_space<vmem>>) offsets(%dma_start3A_241 : memref<128xi32, #tpu.memory_space<vmem>>) semaphore(%arg12 : memref<!tpu.dma_semaphore, #tpu.memory_space<semaphore_mem>>) {add = true}
    %add3A_245 = arith.constant 0 : i32
    %add3A_246 = arith.addi %multiple_of3A_223, %add3A_245 : i32
    %add3A_247 = arith.constant 128 : i32
    %add3A_248 = arith.addi %add3A_246, %add3A_247 : i32
    %dma_start3A_249 = arith.constant 0 : i32
    %dma_start3A_250 = arith.constant 128 : i32
    %dma_start3A_251 = arith.constant 0 : i32
    %dma_start3A_252 = tpu.memref_slice %arg8[%dma_start3A_249, %dma_start3A_250, %dma_start3A_251] : memref<4x200x32xf32, #tpu.memory_space<vmem>> -> memref<1x72x32xf32, #tpu.memory_space<vmem>>
    %dma_start3A_253 = tpu.memref_squeeze %dma_start3A_252 : memref<1x72x32xf32, #tpu.memory_space<vmem>> -> memref<72x32xf32, #tpu.memory_space<vmem>>
    %dma_start3A_254 = tpu.memref_slice %arg6[%add3A_248] : memref<25600xi32, #tpu.memory_space<vmem>> -> memref<72xi32, #tpu.memory_space<vmem>>
    %dma_start3A_255 = arith.constant 0 : i32
    %dma_start3A_256 = arith.constant 0 : i32
    %dma_start3A_257 = tpu.memref_slice %arg3[%dma_start3A_255, %dma_start3A_256] : memref<1003520x32xf32, #tpu.memory_space<hbm>> -> memref<1003520x32xf32, #tpu.memory_space<hbm>>
    tpu.enqueue_indirect_dma source(%dma_start3A_257 : memref<1003520x32xf32, #tpu.memory_space<hbm>>) target(%dma_start3A_253 : memref<72x32xf32, #tpu.memory_space<vmem>>) offsets(%dma_start3A_254 : memref<72xi32, #tpu.memory_space<vmem>>) semaphore(%arg12 : memref<!tpu.dma_semaphore, #tpu.memory_space<semaphore_mem>>) {add = true}
    %add3A_258 = arith.constant 200 : i32
    %add3A_259 = arith.addi %multiple_of3A_223, %add3A_258 : i32
    %add3A_260 = arith.constant 0 : i32
    %add3A_261 = arith.addi %add3A_259, %add3A_260 : i32
    %dma_start3A_262 = arith.constant 1 : i32
    %dma_start3A_263 = arith.constant 0 : i32
    %dma_start3A_264 = arith.constant 0 : i32
    %dma_start3A_265 = tpu.memref_slice %arg8[%dma_start3A_262, %dma_start3A_263, %dma_start3A_264] : memref<4x200x32xf32, #tpu.memory_space<vmem>> -> memref<1x128x32xf32, #tpu.memory_space<vmem>>
    %dma_start3A_266 = tpu.memref_squeeze %dma_start3A_265 : memref<1x128x32xf32, #tpu.memory_space<vmem>> -> memref<128x32xf32, #tpu.memory_space<vmem>>
    %dma_start3A_267 = tpu.memref_slice %arg6[%add3A_261] : memref<25600xi32, #tpu.memory_space<vmem>> -> memref<128xi32, #tpu.memory_space<vmem>>
    %dma_start3A_268 = arith.constant 0 : i32
    %dma_start3A_269 = arith.constant 0 : i32
    %dma_start3A_270 = tpu.memref_slice %arg3[%dma_start3A_268, %dma_start3A_269] : memref<1003520x32xf32, #tpu.memory_space<hbm>> -> memref<1003520x32xf32, #tpu.memory_space<hbm>>
    tpu.enqueue_indirect_dma source(%dma_start3A_270 : memref<1003520x32xf32, #tpu.memory_space<hbm>>) target(%dma_start3A_266 : memref<128x32xf32, #tpu.memory_space<vmem>>) offsets(%dma_start3A_267 : memref<128xi32, #tpu.memory_space<vmem>>) semaphore(%arg12 : memref<!tpu.dma_semaphore, #tpu.memory_space<semaphore_mem>>) {add = true}
    %add3A_271 = arith.constant 200 : i32
    %add3A_272 = arith.addi %multiple_of3A_223, %add3A_271 : i32
    %add3A_273 = arith.constant 128 : i32
    %add3A_274 = arith.addi %add3A_272, %add3A_273 : i32
    %dma_start3A_275 = arith.constant 1 : i32
    %dma_start3A_276 = arith.constant 128 : i32
    %dma_start3A_277 = arith.constant 0 : i32
    %dma_start3A_278 = tpu.memref_slice %arg8[%dma_start3A_275, %dma_start3A_276, %dma_start3A_277] : memref<4x200x32xf32, #tpu.memory_space<vmem>> -> memref<1x72x32xf32, #tpu.memory_space<vmem>>
    %dma_start3A_279 = tpu.memref_squeeze %dma_start3A_278 : memref<1x72x32xf32, #tpu.memory_space<vmem>> -> memref<72x32xf32, #tpu.memory_space<vmem>>
    %dma_start3A_280 = tpu.memref_slice %arg6[%add3A_274] : memref<25600xi32, #tpu.memory_space<vmem>> -> memref<72xi32, #tpu.memory_space<vmem>>
    %dma_start3A_281 = arith.constant 0 : i32
    %dma_start3A_282 = arith.constant 0 : i32
    %dma_start3A_283 = tpu.memref_slice %arg3[%dma_start3A_281, %dma_start3A_282] : memref<1003520x32xf32, #tpu.memory_space<hbm>> -> memref<1003520x32xf32, #tpu.memory_space<hbm>>
    tpu.enqueue_indirect_dma source(%dma_start3A_283 : memref<1003520x32xf32, #tpu.memory_space<hbm>>) target(%dma_start3A_279 : memref<72x32xf32, #tpu.memory_space<vmem>>) offsets(%dma_start3A_280 : memref<72xi32, #tpu.memory_space<vmem>>) semaphore(%arg12 : memref<!tpu.dma_semaphore, #tpu.memory_space<semaphore_mem>>) {add = true}
    %add3A_284 = arith.constant 400 : i32
    %add3A_285 = arith.addi %multiple_of3A_223, %add3A_284 : i32
    %add3A_286 = arith.constant 0 : i32
    %add3A_287 = arith.addi %add3A_285, %add3A_286 : i32
    %dma_start3A_288 = arith.constant 2 : i32
    %dma_start3A_289 = arith.constant 0 : i32
    %dma_start3A_290 = arith.constant 0 : i32
    %dma_start3A_291 = tpu.memref_slice %arg8[%dma_start3A_288, %dma_start3A_289, %dma_start3A_290] : memref<4x200x32xf32, #tpu.memory_space<vmem>> -> memref<1x128x32xf32, #tpu.memory_space<vmem>>
    %dma_start3A_292 = tpu.memref_squeeze %dma_start3A_291 : memref<1x128x32xf32, #tpu.memory_space<vmem>> -> memref<128x32xf32, #tpu.memory_space<vmem>>
    %dma_start3A_293 = tpu.memref_slice %arg6[%add3A_287] : memref<25600xi32, #tpu.memory_space<vmem>> -> memref<128xi32, #tpu.memory_space<vmem>>
    %dma_start3A_294 = arith.constant 0 : i32
    %dma_start3A_295 = arith.constant 0 : i32
    %dma_start3A_296 = tpu.memref_slice %arg3[%dma_start3A_294, %dma_start3A_295] : memref<1003520x32xf32, #tpu.memory_space<hbm>> -> memref<1003520x32xf32, #tpu.memory_space<hbm>>
    tpu.enqueue_indirect_dma source(%dma_start3A_296 : memref<1003520x32xf32, #tpu.memory_space<hbm>>) target(%dma_start3A_292 : memref<128x32xf32, #tpu.memory_space<vmem>>) offsets(%dma_start3A_293 : memref<128xi32, #tpu.memory_space<vmem>>) semaphore(%arg12 : memref<!tpu.dma_semaphore, #tpu.memory_space<semaphore_mem>>) {add = true}
    %add3A_297 = arith.constant 400 : i32
    %add3A_298 = arith.addi %multiple_of3A_223, %add3A_297 : i32
    %add3A_299 = arith.constant 128 : i32
    %add3A_300 = arith.addi %add3A_298, %add3A_299 : i32
    %dma_start3A_301 = arith.constant 2 : i32
    %dma_start3A_302 = arith.constant 128 : i32
    %dma_start3A_303 = arith.constant 0 : i32
    %dma_start3A_304 = tpu.memref_slice %arg8[%dma_start3A_301, %dma_start3A_302, %dma_start3A_303] : memref<4x200x32xf32, #tpu.memory_space<vmem>> -> memref<1x72x32xf32, #tpu.memory_space<vmem>>
    %dma_start3A_305 = tpu.memref_squeeze %dma_start3A_304 : memref<1x72x32xf32, #tpu.memory_space<vmem>> -> memref<72x32xf32, #tpu.memory_space<vmem>>
    %dma_start3A_306 = tpu.memref_slice %arg6[%add3A_300] : memref<25600xi32, #tpu.memory_space<vmem>> -> memref<72xi32, #tpu.memory_space<vmem>>
    %dma_start3A_307 = arith.constant 0 : i32
    %dma_start3A_308 = arith.constant 0 : i32
    %dma_start3A_309 = tpu.memref_slice %arg3[%dma_start3A_307, %dma_start3A_308] : memref<1003520x32xf32, #tpu.memory_space<hbm>> -> memref<1003520x32xf32, #tpu.memory_space<hbm>>
    tpu.enqueue_indirect_dma source(%dma_start3A_309 : memref<1003520x32xf32, #tpu.memory_space<hbm>>) target(%dma_start3A_305 : memref<72x32xf32, #tpu.memory_space<vmem>>) offsets(%dma_start3A_306 : memref<72xi32, #tpu.memory_space<vmem>>) semaphore(%arg12 : memref<!tpu.dma_semaphore, #tpu.memory_space<semaphore_mem>>) {add = true}
    %add3A_310 = arith.constant 600 : i32
    %add3A_311 = arith.addi %multiple_of3A_223, %add3A_310 : i32
    %add3A_312 = arith.constant 0 : i32
    %add3A_313 = arith.addi %add3A_311, %add3A_312 : i32
    %dma_start3A_314 = arith.constant 3 : i32
    %dma_start3A_315 = arith.constant 0 : i32
    %dma_start3A_316 = arith.constant 0 : i32
    %dma_start3A_317 = tpu.memref_slice %arg8[%dma_start3A_314, %dma_start3A_315, %dma_start3A_316] : memref<4x200x32xf32, #tpu.memory_space<vmem>> -> memref<1x128x32xf32, #tpu.memory_space<vmem>>
    %dma_start3A_318 = tpu.memref_squeeze %dma_start3A_317 : memref<1x128x32xf32, #tpu.memory_space<vmem>> -> memref<128x32xf32, #tpu.memory_space<vmem>>
    %dma_start3A_319 = tpu.memref_slice %arg6[%add3A_313] : memref<25600xi32, #tpu.memory_space<vmem>> -> memref<128xi32, #tpu.memory_space<vmem>>
    %dma_start3A_320 = arith.constant 0 : i32
    %dma_start3A_321 = arith.constant 0 : i32
    %dma_start3A_322 = tpu.memref_slice %arg3[%dma_start3A_320, %dma_start3A_321] : memref<1003520x32xf32, #tpu.memory_space<hbm>> -> memref<1003520x32xf32, #tpu.memory_space<hbm>>
    tpu.enqueue_indirect_dma source(%dma_start3A_322 : memref<1003520x32xf32, #tpu.memory_space<hbm>>) target(%dma_start3A_318 : memref<128x32xf32, #tpu.memory_space<vmem>>) offsets(%dma_start3A_319 : memref<128xi32, #tpu.memory_space<vmem>>) semaphore(%arg12 : memref<!tpu.dma_semaphore, #tpu.memory_space<semaphore_mem>>) {add = true}
    %add3A_323 = arith.constant 600 : i32
    %add3A_324 = arith.addi %multiple_of3A_223, %add3A_323 : i32
    %add3A_325 = arith.constant 128 : i32
    %add3A_326 = arith.addi %add3A_324, %add3A_325 : i32
    %dma_start3A_327 = arith.constant 3 : i32
    %dma_start3A_328 = arith.constant 128 : i32
    %dma_start3A_329 = arith.constant 0 : i32
    %dma_start3A_330 = tpu.memref_slice %arg8[%dma_start3A_327, %dma_start3A_328, %dma_start3A_329] : memref<4x200x32xf32, #tpu.memory_space<vmem>> -> memref<1x72x32xf32, #tpu.memory_space<vmem>>
    %dma_start3A_331 = tpu.memref_squeeze %dma_start3A_330 : memref<1x72x32xf32, #tpu.memory_space<vmem>> -> memref<72x32xf32, #tpu.memory_space<vmem>>
    %dma_start3A_332 = tpu.memref_slice %arg6[%add3A_326] : memref<25600xi32, #tpu.memory_space<vmem>> -> memref<72xi32, #tpu.memory_space<vmem>>
    %dma_start3A_333 = arith.constant 0 : i32
    %dma_start3A_334 = arith.constant 0 : i32
    %dma_start3A_335 = tpu.memref_slice %arg3[%dma_start3A_333, %dma_start3A_334] : memref<1003520x32xf32, #tpu.memory_space<hbm>> -> memref<1003520x32xf32, #tpu.memory_space<hbm>>
    tpu.enqueue_indirect_dma source(%dma_start3A_335 : memref<1003520x32xf32, #tpu.memory_space<hbm>>) target(%dma_start3A_331 : memref<72x32xf32, #tpu.memory_space<vmem>>) offsets(%dma_start3A_332 : memref<72xi32, #tpu.memory_space<vmem>>) semaphore(%arg12 : memref<!tpu.dma_semaphore, #tpu.memory_space<semaphore_mem>>) {add = true}
    %dma_wait3A_336 = arith.constant 0 : i32
    %dma_wait3A_337 = arith.constant 0 : i32
    %dma_wait3A_338 = arith.constant 0 : i32
    %dma_wait3A_339 = tpu.memref_slice %arg8[%dma_wait3A_336, %dma_wait3A_337, %dma_wait3A_338] : memref<4x200x32xf32, #tpu.memory_space<vmem>> -> memref<1x128x32xf32, #tpu.memory_space<vmem>>
    %dma_wait3A_340 = tpu.memref_squeeze %dma_wait3A_339 : memref<1x128x32xf32, #tpu.memory_space<vmem>> -> memref<128x32xf32, #tpu.memory_space<vmem>>
    %dma_wait3A_341 = tpu.memref_slice %arg6[%add3A_235] : memref<25600xi32, #tpu.memory_space<vmem>> -> memref<128xi32, #tpu.memory_space<vmem>>
    %dma_wait3A_342 = arith.constant 0 : i32
    %dma_wait3A_343 = arith.constant 0 : i32
    %dma_wait3A_344 = tpu.memref_slice %arg3[%dma_wait3A_342, %dma_wait3A_343] : memref<1003520x32xf32, #tpu.memory_space<hbm>> -> memref<1003520x32xf32, #tpu.memory_space<hbm>>
    tpu.wait_indirect_dma semaphore(%arg12 : memref<!tpu.dma_semaphore, #tpu.memory_space<semaphore_mem>>) src(%dma_wait3A_344 : memref<1003520x32xf32, #tpu.memory_space<hbm>>) dst(%dma_wait3A_340 : memref<128x32xf32, #tpu.memory_space<vmem>>)
    %dma_wait3A_345 = arith.constant 0 : i32
    %dma_wait3A_346 = arith.constant 128 : i32
    %dma_wait3A_347 = arith.constant 0 : i32
    %dma_wait3A_348 = tpu.memref_slice %arg8[%dma_wait3A_345, %dma_wait3A_346, %dma_wait3A_347] : memref<4x200x32xf32, #tpu.memory_space<vmem>> -> memref<1x72x32xf32, #tpu.memory_space<vmem>>
    %dma_wait3A_349 = tpu.memref_squeeze %dma_wait3A_348 : memref<1x72x32xf32, #tpu.memory_space<vmem>> -> memref<72x32xf32, #tpu.memory_space<vmem>>
    %dma_wait3A_350 = tpu.memref_slice %arg6[%add3A_248] : memref<25600xi32, #tpu.memory_space<vmem>> -> memref<72xi32, #tpu.memory_space<vmem>>
    %dma_wait3A_351 = arith.constant 0 : i32
    %dma_wait3A_352 = arith.constant 0 : i32
    %dma_wait3A_353 = tpu.memref_slice %arg3[%dma_wait3A_351, %dma_wait3A_352] : memref<1003520x32xf32, #tpu.memory_space<hbm>> -> memref<1003520x32xf32, #tpu.memory_space<hbm>>
    tpu.wait_indirect_dma semaphore(%arg12 : memref<!tpu.dma_semaphore, #tpu.memory_space<semaphore_mem>>) src(%dma_wait3A_353 : memref<1003520x32xf32, #tpu.memory_space<hbm>>) dst(%dma_wait3A_349 : memref<72x32xf32, #tpu.memory_space<vmem>>)
    %dma_wait3A_354 = arith.constant 1 : i32
    %dma_wait3A_355 = arith.constant 0 : i32
    %dma_wait3A_356 = arith.constant 0 : i32
    %dma_wait3A_357 = tpu.memref_slice %arg8[%dma_wait3A_354, %dma_wait3A_355, %dma_wait3A_356] : memref<4x200x32xf32, #tpu.memory_space<vmem>> -> memref<1x128x32xf32, #tpu.memory_space<vmem>>
    %dma_wait3A_358 = tpu.memref_squeeze %dma_wait3A_357 : memref<1x128x32xf32, #tpu.memory_space<vmem>> -> memref<128x32xf32, #tpu.memory_space<vmem>>
    %dma_wait3A_359 = tpu.memref_slice %arg6[%add3A_261] : memref<25600xi32, #tpu.memory_space<vmem>> -> memref<128xi32, #tpu.memory_space<vmem>>
    %dma_wait3A_360 = arith.constant 0 : i32
    %dma_wait3A_361 = arith.constant 0 : i32
    %dma_wait3A_362 = tpu.memref_slice %arg3[%dma_wait3A_360, %dma_wait3A_361] : memref<1003520x32xf32, #tpu.memory_space<hbm>> -> memref<1003520x32xf32, #tpu.memory_space<hbm>>
    tpu.wait_indirect_dma semaphore(%arg12 : memref<!tpu.dma_semaphore, #tpu.memory_space<semaphore_mem>>) src(%dma_wait3A_362 : memref<1003520x32xf32, #tpu.memory_space<hbm>>) dst(%dma_wait3A_358 : memref<128x32xf32, #tpu.memory_space<vmem>>)
    %dma_wait3A_363 = arith.constant 1 : i32
    %dma_wait3A_364 = arith.constant 128 : i32
    %dma_wait3A_365 = arith.constant 0 : i32
    %dma_wait3A_366 = tpu.memref_slice %arg8[%dma_wait3A_363, %dma_wait3A_364, %dma_wait3A_365] : memref<4x200x32xf32, #tpu.memory_space<vmem>> -> memref<1x72x32xf32, #tpu.memory_space<vmem>>
    %dma_wait3A_367 = tpu.memref_squeeze %dma_wait3A_366 : memref<1x72x32xf32, #tpu.memory_space<vmem>> -> memref<72x32xf32, #tpu.memory_space<vmem>>
    %dma_wait3A_368 = tpu.memref_slice %arg6[%add3A_274] : memref<25600xi32, #tpu.memory_space<vmem>> -> memref<72xi32, #tpu.memory_space<vmem>>
    %dma_wait3A_369 = arith.constant 0 : i32
    %dma_wait3A_370 = arith.constant 0 : i32
    %dma_wait3A_371 = tpu.memref_slice %arg3[%dma_wait3A_369, %dma_wait3A_370] : memref<1003520x32xf32, #tpu.memory_space<hbm>> -> memref<1003520x32xf32, #tpu.memory_space<hbm>>
    tpu.wait_indirect_dma semaphore(%arg12 : memref<!tpu.dma_semaphore, #tpu.memory_space<semaphore_mem>>) src(%dma_wait3A_371 : memref<1003520x32xf32, #tpu.memory_space<hbm>>) dst(%dma_wait3A_367 : memref<72x32xf32, #tpu.memory_space<vmem>>)
    %dma_wait3A_372 = arith.constant 2 : i32
    %dma_wait3A_373 = arith.constant 0 : i32
    %dma_wait3A_374 = arith.constant 0 : i32
    %dma_wait3A_375 = tpu.memref_slice %arg8[%dma_wait3A_372, %dma_wait3A_373, %dma_wait3A_374] : memref<4x200x32xf32, #tpu.memory_space<vmem>> -> memref<1x128x32xf32, #tpu.memory_space<vmem>>
    %dma_wait3A_376 = tpu.memref_squeeze %dma_wait3A_375 : memref<1x128x32xf32, #tpu.memory_space<vmem>> -> memref<128x32xf32, #tpu.memory_space<vmem>>
    %dma_wait3A_377 = tpu.memref_slice %arg6[%add3A_287] : memref<25600xi32, #tpu.memory_space<vmem>> -> memref<128xi32, #tpu.memory_space<vmem>>
    %dma_wait3A_378 = arith.constant 0 : i32
    %dma_wait3A_379 = arith.constant 0 : i32
    %dma_wait3A_380 = tpu.memref_slice %arg3[%dma_wait3A_378, %dma_wait3A_379] : memref<1003520x32xf32, #tpu.memory_space<hbm>> -> memref<1003520x32xf32, #tpu.memory_space<hbm>>
    tpu.wait_indirect_dma semaphore(%arg12 : memref<!tpu.dma_semaphore, #tpu.memory_space<semaphore_mem>>) src(%dma_wait3A_380 : memref<1003520x32xf32, #tpu.memory_space<hbm>>) dst(%dma_wait3A_376 : memref<128x32xf32, #tpu.memory_space<vmem>>)
    %dma_wait3A_381 = arith.constant 2 : i32
    %dma_wait3A_382 = arith.constant 128 : i32
    %dma_wait3A_383 = arith.constant 0 : i32
    %dma_wait3A_384 = tpu.memref_slice %arg8[%dma_wait3A_381, %dma_wait3A_382, %dma_wait3A_383] : memref<4x200x32xf32, #tpu.memory_space<vmem>> -> memref<1x72x32xf32, #tpu.memory_space<vmem>>
    %dma_wait3A_385 = tpu.memref_squeeze %dma_wait3A_384 : memref<1x72x32xf32, #tpu.memory_space<vmem>> -> memref<72x32xf32, #tpu.memory_space<vmem>>
    %dma_wait3A_386 = tpu.memref_slice %arg6[%add3A_300] : memref<25600xi32, #tpu.memory_space<vmem>> -> memref<72xi32, #tpu.memory_space<vmem>>
    %dma_wait3A_387 = arith.constant 0 : i32
    %dma_wait3A_388 = arith.constant 0 : i32
    %dma_wait3A_389 = tpu.memref_slice %arg3[%dma_wait3A_387, %dma_wait3A_388] : memref<1003520x32xf32, #tpu.memory_space<hbm>> -> memref<1003520x32xf32, #tpu.memory_space<hbm>>
    tpu.wait_indirect_dma semaphore(%arg12 : memref<!tpu.dma_semaphore, #tpu.memory_space<semaphore_mem>>) src(%dma_wait3A_389 : memref<1003520x32xf32, #tpu.memory_space<hbm>>) dst(%dma_wait3A_385 : memref<72x32xf32, #tpu.memory_space<vmem>>)
    %dma_wait3A_390 = arith.constant 3 : i32
    %dma_wait3A_391 = arith.constant 0 : i32
    %dma_wait3A_392 = arith.constant 0 : i32
    %dma_wait3A_393 = tpu.memref_slice %arg8[%dma_wait3A_390, %dma_wait3A_391, %dma_wait3A_392] : memref<4x200x32xf32, #tpu.memory_space<vmem>> -> memref<1x128x32xf32, #tpu.memory_space<vmem>>
    %dma_wait3A_394 = tpu.memref_squeeze %dma_wait3A_393 : memref<1x128x32xf32, #tpu.memory_space<vmem>> -> memref<128x32xf32, #tpu.memory_space<vmem>>
    %dma_wait3A_395 = tpu.memref_slice %arg6[%add3A_313] : memref<25600xi32, #tpu.memory_space<vmem>> -> memref<128xi32, #tpu.memory_space<vmem>>
    %dma_wait3A_396 = arith.constant 0 : i32
    %dma_wait3A_397 = arith.constant 0 : i32
    %dma_wait3A_398 = tpu.memref_slice %arg3[%dma_wait3A_396, %dma_wait3A_397] : memref<1003520x32xf32, #tpu.memory_space<hbm>> -> memref<1003520x32xf32, #tpu.memory_space<hbm>>
    tpu.wait_indirect_dma semaphore(%arg12 : memref<!tpu.dma_semaphore, #tpu.memory_space<semaphore_mem>>) src(%dma_wait3A_398 : memref<1003520x32xf32, #tpu.memory_space<hbm>>) dst(%dma_wait3A_394 : memref<128x32xf32, #tpu.memory_space<vmem>>)
    %dma_wait3A_399 = arith.constant 3 : i32
    %dma_wait3A_400 = arith.constant 128 : i32
    %dma_wait3A_401 = arith.constant 0 : i32
    %dma_wait3A_402 = tpu.memref_slice %arg8[%dma_wait3A_399, %dma_wait3A_400, %dma_wait3A_401] : memref<4x200x32xf32, #tpu.memory_space<vmem>> -> memref<1x72x32xf32, #tpu.memory_space<vmem>>
    %dma_wait3A_403 = tpu.memref_squeeze %dma_wait3A_402 : memref<1x72x32xf32, #tpu.memory_space<vmem>> -> memref<72x32xf32, #tpu.memory_space<vmem>>
    %dma_wait3A_404 = tpu.memref_slice %arg6[%add3A_326] : memref<25600xi32, #tpu.memory_space<vmem>> -> memref<72xi32, #tpu.memory_space<vmem>>
    %dma_wait3A_405 = arith.constant 0 : i32
    %dma_wait3A_406 = arith.constant 0 : i32
    %dma_wait3A_407 = tpu.memref_slice %arg3[%dma_wait3A_405, %dma_wait3A_406] : memref<1003520x32xf32, #tpu.memory_space<hbm>> -> memref<1003520x32xf32, #tpu.memory_space<hbm>>
    tpu.wait_indirect_dma semaphore(%arg12 : memref<!tpu.dma_semaphore, #tpu.memory_space<semaphore_mem>>) src(%dma_wait3A_407 : memref<1003520x32xf32, #tpu.memory_space<hbm>>) dst(%dma_wait3A_403 : memref<72x32xf32, #tpu.memory_space<vmem>>)
    %add3A_408 = arith.addi %multiple_of3A, %multiple_of3A_223 : i32
    %jit3A_409 = arith.constant 200 : i32
    %div3A_410 = arith.divsi %add3A_408, %jit3A_409 : i32
    %sign3A_411 = arith.constant 0 : i32
    %sign3A_412 = arith.cmpi sgt, %add3A_408, %sign3A_411 : i32
    %sign3A_413 = arith.extui %sign3A_412 : i1 to i32
    %sign3A_414 = arith.constant 0 : i32
    %sign3A_415 = arith.cmpi slt, %add3A_408, %sign3A_414 : i32
    %sign3A_416 = arith.extui %sign3A_415 : i1 to i32
    %sign3A_417 = arith.subi %sign3A_413, %sign3A_416 : i32
    %sign3A_418 = arith.constant 0 : i32
    %sign3A_419 = arith.cmpi sgt, %jit3A_409, %sign3A_418 : i32
    %sign3A_420 = arith.extui %sign3A_419 : i1 to i32
    %sign3A_421 = arith.constant 0 : i32
    %sign3A_422 = arith.cmpi slt, %jit3A_409, %sign3A_421 : i32
    %sign3A_423 = arith.extui %sign3A_422 : i1 to i32
    %sign3A_424 = arith.subi %sign3A_420, %sign3A_423 : i32
    %ne3A_425 = arith.cmpi ne, %sign3A_417, %sign3A_424 : i32
    %rem3A_426 = arith.remsi %add3A_408, %jit3A_409 : i32
    %ne3A_427 = arith.constant 0 : i32
    %ne3A_428 = arith.cmpi ne, %rem3A_426, %ne3A_427 : i32
    %and3A_429 = arith.andi %ne3A_425, %ne3A_428 : i1
    %sub3A_430 = arith.constant 1 : i32
    %sub3A_431 = arith.subi %div3A_410, %sub3A_430 : i32
    %select_n3A_432 = arith.select %and3A_429, %sub3A_431, %div3A_410 : i32
    %dma_start3A_433 = arith.constant 0 : i32
    %dma_start3A_434 = arith.constant 0 : i32
    %dma_start3A_435 = tpu.memref_slice %arg5[%select_n3A_432, %dma_start3A_433, %dma_start3A_434] : memref<4096x200x32xf32, #tpu.memory_space<hbm>> -> memref<4x200x32xf32, #tpu.memory_space<hbm>>
    %dma_start3A_436 = arith.constant 0 : i32
    %dma_start3A_437 = arith.constant 0 : i32
    %dma_start3A_438 = tpu.memref_slice %arg5[%select_n3A_432, %dma_start3A_436, %dma_start3A_437] : memref<4096x200x32xf32, #tpu.memory_space<hbm>> -> memref<4x200x32xf32, #tpu.memory_space<hbm>>
    tpu.enqueue_dma source(%arg8 : memref<4x200x32xf32, #tpu.memory_space<vmem>>) target(%dma_start3A_438 : memref<4x200x32xf32, #tpu.memory_space<hbm>>) target_semaphore(%arg13 : memref<!tpu.dma_semaphore, #tpu.memory_space<semaphore_mem>>)
    %dma_wait3A_439 = arith.constant 0 : i32
    %dma_wait3A_440 = arith.constant 0 : i32
    %dma_wait3A_441 = arith.constant 0 : i32
    %dma_wait3A_442 = tpu.memref_slice %arg5[%dma_wait3A_439, %dma_wait3A_440, %dma_wait3A_441] : memref<4096x200x32xf32, #tpu.memory_space<hbm>> -> memref<4x200x32xf32, #tpu.memory_space<hbm>>
    %dma_wait3A_443 = arith.constant 0 : i32
    %dma_wait3A_444 = arith.constant 0 : i32
    %dma_wait3A_445 = arith.constant 0 : i32
    %dma_wait3A_446 = tpu.memref_slice %arg5[%dma_wait3A_443, %dma_wait3A_444, %dma_wait3A_445] : memref<4096x200x32xf32, #tpu.memory_space<hbm>> -> memref<4x200x32xf32, #tpu.memory_space<hbm>>
    tpu.wait_dma2 semaphore(%arg13 : memref<!tpu.dma_semaphore, #tpu.memory_space<semaphore_mem>>) src(%dma_wait3A_446 : memref<4x200x32xf32, #tpu.memory_space<hbm>>) dst(%arg7 : memref<4x200x32xf32, #tpu.memory_space<vmem>>)
    %dma_wait3A_447 = arith.constant 0 : i32
    %dma_wait3A_448 = arith.constant 0 : i32
    %dma_wait3A_449 = arith.constant 0 : i32
    %dma_wait3A_450 = tpu.memref_slice %arg5[%dma_wait3A_447, %dma_wait3A_448, %dma_wait3A_449] : memref<4096x200x32xf32, #tpu.memory_space<hbm>> -> memref<4x200x32xf32, #tpu.memory_space<hbm>>
    %dma_wait3A_451 = arith.constant 0 : i32
    %dma_wait3A_452 = arith.constant 0 : i32
    %dma_wait3A_453 = arith.constant 0 : i32
    %dma_wait3A_454 = tpu.memref_slice %arg5[%dma_wait3A_451, %dma_wait3A_452, %dma_wait3A_453] : memref<4096x200x32xf32, #tpu.memory_space<hbm>> -> memref<4x200x32xf32, #tpu.memory_space<hbm>>
    tpu.wait_dma2 semaphore(%arg13 : memref<!tpu.dma_semaphore, #tpu.memory_space<semaphore_mem>>) src(%dma_wait3A_454 : memref<4x200x32xf32, #tpu.memory_space<hbm>>) dst(%arg8 : memref<4x200x32xf32, #tpu.memory_space<vmem>>)
    return
  }
}

module attributes {stable_mosaic.version = 14 : i64} {
  func.func @_conv_body(%arg0: i32, %arg1: memref<32x4096xf32, #tpu.memory_space<vmem>>, %arg2: memref<1024x128xf32, #tpu.memory_space<vmem>>) attributes {dimension_semantics = [#tpu.dimension_semantics<arbitrary>], iteration_bounds = array<i64: 245>, scalar_prefetch = 0 : i64, scratch_operands = 0 : i64, tpu.core_type = #tpu.core_type<tc>, window_params = [{transform_indices = @transform_0, window_bounds = array<i64: 32, 4096>}, {transform_indices = @transform_1, window_bounds = array<i64: 1024, 128>}]} {
    %get3A = arith.constant 0 : index
    %get3A_0 = arith.constant 0 : index
    %get3A_1 = vector.load %arg1[%get3A, %get3A_0] : memref<32x4096xf32, #tpu.memory_space<vmem>>, vector<32x1024xf32>
    %transpose3A = tpu.transpose %get3A_1, [1, 0] : vector<32x1024xf32> -> vector<1024x32xf32>
    %get3A_2 = arith.constant 0 : index
    %get3A_3 = arith.constant 1024 : index
    %get3A_4 = vector.load %arg1[%get3A_2, %get3A_3] : memref<32x4096xf32, #tpu.memory_space<vmem>>, vector<32x1024xf32>
    %transpose3A_5 = tpu.transpose %get3A_4, [1, 0] : vector<32x1024xf32> -> vector<1024x32xf32>
    %get3A_6 = arith.constant 0 : index
    %get3A_7 = arith.constant 2048 : index
    %get3A_8 = vector.load %arg1[%get3A_6, %get3A_7] : memref<32x4096xf32, #tpu.memory_space<vmem>>, vector<32x1024xf32>
    %transpose3A_9 = tpu.transpose %get3A_8, [1, 0] : vector<32x1024xf32> -> vector<1024x32xf32>
    %get3A_10 = arith.constant 0 : index
    %get3A_11 = arith.constant 3072 : index
    %get3A_12 = vector.load %arg1[%get3A_10, %get3A_11] : memref<32x4096xf32, #tpu.memory_space<vmem>>, vector<32x1024xf32>
    %transpose3A_13 = tpu.transpose %get3A_12, [1, 0] : vector<32x1024xf32> -> vector<1024x32xf32>
    %concatenate3A = tpu.concatenate %transpose3A, %transpose3A_5, %transpose3A_9, %transpose3A_13 in 1 : vector<1024x32xf32>, vector<1024x32xf32>, vector<1024x32xf32>, vector<1024x32xf32> -> vector<1024x128xf32>
    %swap3A = arith.constant 0 : index
    %swap3A_14 = arith.constant 0 : index
    %swap3A_15 = vector.load %arg2[%swap3A, %swap3A_14] : memref<1024x128xf32, #tpu.memory_space<vmem>>, vector<1024x128xf32>
    tpu.vector_store %arg2[%swap3A, %swap3A_14], %concatenate3A {strides = array<i32>} : memref<1024x128xf32, #tpu.memory_space<vmem>>, vector<1024x128xf32>,
    return
  }
  func.func @transform_0(%arg0: i32) -> (i32, i32) {
    %c0_i32 = arith.constant 0 : i32
    %c0_i32_0 = arith.constant 0 : i32
    return %c0_i32, %arg0 : i32, i32
  }
  func.func @transform_1(%arg0: i32) -> (i32, i32) {
    %c0_i32 = arith.constant 0 : i32
    %c0_i32_0 = arith.constant 0 : i32
    return %arg0, %c0_i32 : i32, i32
  }
}

</mosaic_0001>

<sc_bundles>
// kernel: kernel.4.cloned.1.call-start
scs
__scs_entry_jumppad:
0x0: {  	(pc) =	sbr.rel $0x88, $3  }
0x1: {  	(tag) =	ssettag $0x0;
	lr =	simm.s32 $0x1  }
0x2: {  	[smem:$0x3F9E] =	sst lr;
	_ =	strace $0xD0000000  }
0x3: {  	_ = 	snop  }
0x4: {  	_ = 	snop  }
0x5: {  	_ = 	snop  }
0x6: {  	_ = 	snop  }
0x7: {  	_ = 	snop  }
__scs_overlays_trampoline_lowered:
0x8: {  	[smem:$0x3FAD] =	sst s0  }
0x9: {  	[smem:$0x3FAE] =	sst s1  }
0xa: {  	[smem:$0x3FAF] =	sst s2  }
0xb: {  	[smem:$0x3FB0] =	sst s3  }
0xc: {  	[smem:$0x3FB1] =	sst s4  }
0xd: {  	[smem:$0x3FB2] =	sst s5  }
0xe: {  	[smem:$0x3FB3] =	sst s6  }
0xf: {  	[smem:$0x3FB4] =	sst s7  }
0x10: {  	[smem:$0x3FB5] =	sst s8  }
0x11: {  	[smem:$0x3FB6] =	sst s9;
	s0 =	simm.s32 @!p0 $0x0  }
0x12: {  	s1 =	sld [smem:$0x3F9C];
	s0 =	simm.s32 @p0 $0x1  }
0x13: {  	[smem:$0x3FB7] =	sst s0;
	s0 =	simm.s32 @!p1 $0x0  }
0x14: {  	s2 =	sld [smem:$0x3F9B];
	s0 =	simm.s32 @p1 $0x1  }
0x15: {  	[smem:$0x3FB8] =	sst s0;
	s0 =	simm.s32 @!p2 $0x0  }
0x16: {  	s3 =	sld [smem:$0x3FDB];
	s0 =	simm.s32 @p2 $0x1  }
0x17: {  	s4 =	simm.s32 $0x1BF5;
	[smem:$0x3FBA] =	sst s0  }
0x18: {  	s0 =	sld [smem:$0x3F9D];
	_ =	swait.ge [sflag:s4], $0x0  }
0x19: {  	s7 =	sld [smem:$0x3F9E]  }
0x1a: {  	s8 =	sadd.s32 $0xFFFFE003, lr  }
0x1b: {  	s9 =	sadd.s32 $0xFFFFFEF7, lr;
	s5 =	simm.s32 $0xFFFFFFFF;
	p2 =	slt.u32 s8, $0xFFFFF086  }
0x1c: {  	p1 =	slt.u32 s9, $0xF7A;
	s5 =	simm.s32 @!p2 $0x0  }
0x1d: {  	s5 =	simm.s32 @p1 $0x1;
	p0 =	seq.s32 s7, s2  }
0x1e: {  	s7 =	smul.u32 @!p0 $0xF7A, s2;
	p2 =	seq.s32 @!p0 s5, $0x0  }
0x1f: {  	s9 =	smul.u32 $0xF7A, s1;
	s8 =	simm.s32 @!p0 $0x1BF5;
	p2 =	por !p2, p0  }
0x20: {  	[sflag:s8] =	ssyncset.s32 @!p0 $0xFFFFF086;
	s6 =	sadd.s32 @!p0 s3, s7;
	s7 =	simm.s32 @!p0 $0x108  }
0x21: {  	s3 =	sadd.s32 s3, s9;
	s6 =	sadd.s32 @!p0 $0x88, s6;
	s7 =	simm.s32 @p2 $0x1082  }
0x22: {  	[simem:s7], [sflag:s8] =	dma.local @!p0 [hbm:s6], $0xF7A  }
0x23: {  	s9 =	sor.u32 $0xD0000000, s2;
	s6 =	simm.s32 $0x108;
	_ =	swait.ge @!p0 [sflag:s8], $0x0  }
0x24: {  	s3 =	sadd.s32 $0x88, s3;
	s6 =	simm.s32 @!p1 $0x1082;
	[sflag:s4] =	ssyncset.s32 $0xFFFFF086  }
0x25: {  	[simem:s6], [sflag:s4] =	dma.local [hbm:s3], $0xF7A  }
0x26: {  	[smem:$0x3F9E] =	sst s1;
	(tag) =	ssettag s2;
	_ =	strace s9  }
0x27: {  	s1 =	sld [smem:$0x3FAE]  }
0x28: {  	s2 =	sld [smem:$0x3FAF]  }
0x29: {  	s4 =	sld [smem:$0x3FB1]  }
0x2a: {  	p0 =	seq.s32 s5, $0x0;
	s5 =	sld [smem:$0x3FB2]  }
0x2b: {  	s6 =	sld [smem:$0x3FB3]  }
0x2c: {  	s7 =	sld [smem:$0x3FB4]  }
0x2d: {  	s3 =	simm.s32 $0x108;
	s8 =	sld [smem:$0x3FB5]  }
0x2e: {  	s3 =	simm.s32 @!p0 $0x1082;
	s9 =	sld [smem:$0x3FB6]  }
0x2f: {  	lr =	sadd.s32 s0, s3;
	s0 =	sld [smem:$0x3FAD]  }
0x30: {  	s3 =	sld [smem:$0x3FB0]  }
0x31: {  	[smem:$0x3FB9] =	sst s10  }
0x32: {  	s10 =	sld [smem:$0x3FB7];
	_ =	sdelay $0x3  }
0x33: {  	p0 =	seq.s32 s10, $0x1;
	s10 =	sld [smem:$0x3FB9];
	_ =	sdelay $0x3  }
0x34: {  	[smem:$0x3FB9] =	sst s10  }
0x35: {  	s10 =	sld [smem:$0x3FB8];
	_ =	sdelay $0x3  }
0x36: {  	p1 =	seq.s32 s10, $0x1;
	s10 =	sld [smem:$0x3FB9];
	_ =	sdelay $0x3  }
0x37: {  	[smem:$0x3FB9] =	sst s10  }
0x38: {  	s10 =	sld [smem:$0x3FBA]  }
0x39: {  	_ = 	snop;
	(pc) =	sbr.ind lr, $3  }
0x3a: {  	_ = 	snop  }
0x3b: {  	_ = 	snop  }
0x3c: {  	p2 =	seq.s32 s10, $0x1;
	s10 =	sld [smem:$0x3FB9]  }
0x3d: {  	_ =	shalt  }
0x3e: {  	_ =	shalt  }
0x3f: {  	_ =	shalt  }
0x40: {  	_ =	shalt  }
0x41: {  	_ =	shalt  }
0x42: {  	_ =	shalt  }
0x43: {  	_ =	shalt  }
0x44: {  	_ =	shalt  }
0x45: {  	_ =	shalt  }
0x46: {  	_ =	shalt  }
0x47: {  	_ =	shalt  }
0x48: {  	_ =	shalt  }
0x49: {  	_ =	shalt  }
0x4a: {  	_ =	shalt  }
0x4b: {  	_ =	shalt  }
0x4c: {  	_ =	shalt  }
0x4d: {  	_ =	shalt  }
0x4e: {  	_ =	shalt  }
0x4f: {  	_ =	shalt  }
0x50: {  	_ =	shalt  }
0x51: {  	_ =	shalt  }
0x52: {  	_ =	shalt  }
0x53: {  	_ =	shalt  }
0x54: {  	_ =	shalt  }
0x55: {  	_ =	shalt  }
0x56: {  	_ =	shalt  }
0x57: {  	_ =	shalt  }
0x58: {  	_ =	shalt  }
0x59: {  	_ =	shalt  }
0x5a: {  	_ =	shalt  }
0x5b: {  	_ =	shalt  }
0x5c: {  	_ =	shalt  }
0x5d: {  	_ =	shalt  }
0x5e: {  	_ =	shalt  }
0x5f: {  	_ =	shalt  }
0x60: {  	_ =	shalt  }
0x61: {  	_ =	shalt  }
0x62: {  	_ =	shalt  }
0x63: {  	_ =	shalt  }
0x64: {  	_ =	shalt  }
0x65: {  	_ =	shalt  }
0x66: {  	_ =	shalt  }
0x67: {  	_ =	shalt  }
0x68: {  	_ =	shalt  }
0x69: {  	_ =	shalt  }
0x6a: {  	_ =	shalt  }
0x6b: {  	_ =	shalt  }
0x6c: {  	_ =	shalt  }
0x6d: {  	_ =	shalt  }
0x6e: {  	_ =	shalt  }
0x6f: {  	_ =	shalt  }
0x70: {  	_ =	shalt  }
0x71: {  	_ =	shalt  }
0x72: {  	_ =	shalt  }
0x73: {  	_ =	shalt  }
0x74: {  	_ =	shalt  }
0x75: {  	_ =	shalt  }
0x76: {  	_ =	shalt  }
0x77: {  	_ =	shalt  }
0x78: {  	_ =	shalt  }
0x79: {  	_ =	shalt  }
0x7a: {  	_ =	shalt  }
0x7b: {  	_ =	shalt  }
0x7c: {  	_ =	shalt  }
0x7d: {  	_ =	shalt  }
0x7e: {  	_ =	shalt  }
0x7f: {  	_ =	shalt  }
0x80: {  	_ =	shalt  }
0x81: {  	_ =	shalt  }
0x82: {  	_ =	shalt  }
0x83: {  	_ =	shalt  }
0x84: {  	_ =	shalt  }
0x85: {  	_ =	shalt  }
0x86: {  	_ =	shalt  }
0x87: {  	_ =	shalt  }
.Lfunc_end0:
.L_simem_size_0:
called_computation.1_lowered:
.L_overlay_start_0:
0x88: {  	s2 =	sld [smem:$0x3FD9]  }
0x89: {  	s3 =	sld [smem:$0x3FFE];
	_ =	sdelay $0x1  }
0x8a: {  	s1 =	srdreg.scid  }
0x8b: {  	s0 =	sand.u32 $0x1, s1  }
0x8c: {  	s17 =	sshll.u32 s0, $0xA;
	s2 =	sadd.s32 s3, s2  }
0x8d: {  	s2 =	sadd.s32 s2, s17  }
0x8e: {  	[smem:$0x3FC5] =	sst s2  }
0x8f: {  	_ = 	snop  }
0x90: {  	s2 =	sld [smem:$0x3FD0];
	(tm) =	ssettm $0x1  }
0x91: {  	s18 =	sld [smem:$0x3FFB];
	_ =	sdelay $0x3  }
0x92: {  	_ =	strace s18  }
0x93: {  	s3 =	sld [smem:$0x3FFC];
	_ =	sdelay $0x3  }
0x94: {  	_ =	strace s3  }
0x95: {  	s3 =	sld [smem:$0x3FFD];
	_ =	sdelay $0x3  }
0x96: {  	_ =	strace s3  }
0x97: {  	_ =	strace $0x8FFFFFFF  }
0x98: {  	s19 =	sld [smem:$0x3FDB];
	_ =	sdelay $0x1  }
0x99: {  	s4 =	simm.s32 $_scs_section_size  }
0x9a: {  	s5 =	simm.s32 $_size__tile_overlayer_lowered;
	s6 =	simm.s32 $_tile_overlayer_lowered  }
0x9b: {  	s22 =	simm.s32 $0x1BFF;
	s21 =	sshll.u32 s6, $0x1;
	s3 =	sadd.s32 s4, s19  }
0x9c: {  	s7 =	simm.s32 $0x0;
	s20 =	sshll.u32 s5, $0x1;
	s5 =	sadd.s32 s21, s3  }
0x9d: {  	[timem:s7], [sflag:s22] =	dma.local [hbm:s5], s20  }
0x9e: {  	_ =	swait.ge [sflag:s22], s20  }
0x9f: {  	s4 =	ssub.s32 $0x0, s20;
	[sflag:s22] =	ssyncset.done $0x0  }
0xa0: {  	[sflag:s22] =	ssyncadd.s32 s4;
	_ =	sdelay $0x1  }
0xa1: {  	s23 =	simm.s32 $0x1B8B  }
0xa2: {  	_ =	swait.ge [sflag:s23], $0x1  }
0xa3: {  	[sflag:s23] =	ssyncset.done $0x0  }
0xa4: {  	s25 =	simm.s32 $0x1B8E;
	s24 =	sld [smem:$0x3FFE];
	[sflag:s23] =	ssyncadd.s32 $0xFFFFFFFF  }
0xa5: {  	s26 =	simm.s32 $execute0_lowered;
	[smem:$0x3FD2] =	sst s25  }
0xa6: {  	s5 =	sshll.u32 s26, $0x1;
	_ =	strace $0x80000046;
	[dreg:$0x1] =	wrdreg $0xFFFFFFFF  }
0xa7: {  	s28 =	simm.s32 $_size_execute0_lowered;
	s3 =	sadd.s32 s3, s5;
	[dreg:$0x0] =	wrdreg $0x0  }
0xa8: {  	s5 =	sshll.u32 s28, $0x1;
	[dreg:$0x2] =	wrdreg s3  }
0xa9: {  	[dreg:$0x3] =	wrdreg s5  }
0xaa: {  	[dreg:$0x4] =	wrdreg $0xC0  }
0xab: {  	_ =	task [dreg:s7], $0x5FFFF  }
0xac: {  	[dreg:$0x1] =	wrdreg $0xFFFFFFFF  }
0xad: {  	[dreg:$0x0] =	wrdreg $0x60  }
0xae: {  	[dreg:$0x2] =	wrdreg s24  }
0xaf: {  	[dreg:$0x3] =	wrdreg s2  }
0xb0: {  	[dreg:$0x4] =	wrdreg $0x12C000  }
0xb1: {  	[dreg:$0x5] =	wrdreg $0x9  }
0xb2: {  	_ =	task.clear_ibuf [dreg:s7], $0x6FFFF;
	_ =	strace $0x90000046  }
0xb3: {  	s29 =	simm.s32 $0x9;
	_ =	strace $0x80000048  }
0xb4: {  	_ =	swait.ge [sflag:s29], $0x1  }
0xb5: {  	[sflag:s29] =	ssyncadd.s32 $0xFFFFFFFF  }
0xb6: {  	_ =	strace $0x90000048  }
0xb7: {  	_ =	sfence  }
0xb8: {  	s30 =	sld [smem:$0x0];
	_ =	sdelay $0x2  }
0xb9: {  	s31 =	sshll.u32 s1, $0xD;
	s1 =	sshrl.u32 s1, $0x2  }
0xba: {  	s3 =	sand.u32 $0x4000, s31;
	s1 =	sadd.s32 s1, s30  }
0xbb: {  	s0 =	sor.u32 s3, s0;
	s1 =	sshll.u32 s1, $0x11  }
0xbc: {  	s0 =	sor.u32 s1, s0  }
0xbd: {  	s0 =	sadd.s32 $0x8F2B, s0  }
0xbe: {  	[sflag:s0] =	ssyncadd.remote.s32 $0x1  }
0xbf: {  	_ =	sfence.sel $0xFFFF  }
0xc0: {  	[dreg:$0x0] =	wrdreg $0xFFFFFFFF;
	(pc) =	sbr.abs _section_cstart, $3  }
0xc1: {  	[dreg:$0x1] =	wrdreg $0xFFFFFFFF  }
0xc2: {  	_ =	task.clear_ibuf [dreg:s7], $0x2FFFF;
	_ =	strace $0x9FFFFFFF  }
0xc3: {  	(tm) =	ssettm $0x7FFFFFFF  }
tec
execute0_lowered:
.L_overlay_start_1:
0x0: {  	(tag) =	ssettag $0x1  }
0x1: {  	s0 =	rddreg [dreg:$0x0];
	s2 =	srdreg.scid  }
0x2: {  	s6 =	stileid.u32;
	s1 =	rddreg [dreg:$0x1]  }
0x3: {  	s15 =	simm.s32 $0x6400;
	s29 =	simm.s32 $0xA600;
	s31 =	simm.s32 $0xAF00  }
0x4: {  	s28 =	simm.s32 $0xD800;
	s30 =	simm.s32 $0xE100;
	s5 =	sand.u32 $0x1, s2  }
0x5: {  	s3 =	sshll.u32 s6, $0x1;
	s2 =	rddreg [dreg:$0x2];
	s9 =	smul.u32 $0xC800, s6  }
0x6: {  	p0 =	sne.s32 s6, $0x0;
	s6 =	simm.s32 $0xFA00;
	s7 =	sor.u32 s5, s3  }
0x7: {  	s3 =	simm.s32 $0x0;
	s10 =	smul.u32 $0x6400, s5;
	s12 =	ssub.s32 $0x2, s5  }
0x8: {  	s14 =	sadd.s32 $0x4B00, s2;
	s8 =	smul.u32 $0x6400, s7;
	[smem:$0x7FF] =	sst s3  }
0x9: {  	s7 =	smul.u32 $0x19000, s7;
	s18 =	sshrl.u32 s12, $0x1;
	_ =	strace $0x80000047  }
0xa: {  	s17 =	sadd.s32 s10, s9;
	s20 =	ssub.s32 s12, s18;
	s12 =	sadd.s32 $0x1900, s2  }
0xb: {  	s18 =	simm.s32 $0x80;
	s4 =	sshrl.u32 s8, $0x3;
	s16 =	sadd.s32 $0x60E0, s8  }
0xc: {  	s13 =	sor.u32 $0x320, s17;
	s23 =	sadd.s32 s1, s7;
	s25 =	sadd.s32 $0x640, s17  }
0xd: {  	s17 =	simm.s32 $0x2;
	s7 =	simm.s32 $0x10A00;
	s8 =	simm.s32 $0x11300  }
0xe: {  	s11 =	sadd.s32 s4, s0;
	s4 =	sadd.s32 $0x19C00, s0;
	s19 =	smulhi.u32 $0x147AE15, s16  }
0xf: {  	s0 =	sadd.s32 $0x800, s0;
	s21 =	smulhi.u32 $0x147AE15, s13;
	[dreg:$0x7] =	wrdreg s23  }
0x10: {  	s13 =	sadd.s32 $0x3200, s2;
	[dreg:$0xa] =	wrdreg s25;
	s23 =	simm.s32 $0xC800  }
0x11: {  	s25 =	simm.s32 $0x3;
	[dreg:$0x5] =	wrdreg s0;
	s22 =	sadd.s32 $0xC00, s11  }
0x12: {  	s0 =	smax.u32 s20, $0x1;
	s20 =	simm.s32 $0x7400;
	s10 =	smul.u32 $0x320, s19  }
0x13: {  	s11 =	simm.s32 $0x4;
	[dreg:$0x6] =	wrdreg s22;
	s9 =	smul.u32 $0x320, s21  }
0x14: {  	[dreg:$0x9] =	wrdreg s0;
	s0 =	sshrl.u32 @!p0 s2, $0x3;
	s19 =	simm.s32 $0x48  }
0x15: {  	s22 =	simm.s32 $0x7D00;
	[dreg:$0xb] =	wrdreg s0;
	s0 =	sshrl.u32 @!p0 s12, $0x3  }
0x16: {  	s21 =	simm.s32 $0xBF00;
	s24 =	sadd.s32 s1, s10;
	[dreg:$0xc] =	wrdreg s0  }
0x17: {  	s12 =	simm.s32 $0x0;
	s26 =	sadd.s32 s9, s1;
	[dreg:$0x8] =	wrdreg s24  }
0x18: {  	s0 =	sshrl.u32 @!p0 s13, $0x3;
	s9 =	simm.s32 $0x12300;
	[dreg:$0x4] =	wrdreg s26  }
0x19: {  	[dreg:$0xd] =	wrdreg s0;
	s0 =	sshrl.u32 @!p0 s14, $0x3;
	s24 =	simm.s32 $0x8D00  }
0x1a: {  	s26 =	simm.s32 $0x9600;
	[dreg:$0xe] =	wrdreg s0;
	s0 =	simm.s32 $0xF100  }
.LBB2_1:
0x1b: {  	s5 =	rddreg [dreg:$0x5]  }
0x1c: {  	s10 =	simm.s32 @!p0 $0x1C05;
	s13 =	rddreg [dreg:$0xb]  }
0x1d: {  	[spmem:s13], [sflag:s10] =	dma.local @!p0 [hbm:s5], $0x320  }
0x1e: {  	s13 =	simm.s32 @!p0 $0x5  }
0x1f: {  	_ =	swait.ge @!p0 [sflag:s13], $0x320  }
0x20: {  	[sflag:s13] =	ssyncset.done @!p0 $0x0  }
0x21: {  	s14 =	rddreg [dreg:$0xc];
	[sflag:s13] =	ssyncadd.s32 @!p0 $0xFFFFFCE0  }
0x22: {  	[spmem:s14], [sflag:s10] =	dma.local @!p0 [hbm:s5], $0x320  }
0x23: {  	_ =	swait.ge @!p0 [sflag:s13], $0x320  }
0x24: {  	[sflag:s13] =	ssyncset.done @!p0 $0x0  }
0x25: {  	s14 =	rddreg [dreg:$0xd];
	[sflag:s13] =	ssyncadd.s32 @!p0 $0xFFFFFCE0  }
0x26: {  	[spmem:s14], [sflag:s10] =	dma.local @!p0 [hbm:s5], $0x320  }
0x27: {  	_ =	swait.ge @!p0 [sflag:s13], $0x320  }
0x28: {  	[sflag:s13] =	ssyncset.done @!p0 $0x0  }
0x29: {  	s14 =	rddreg [dreg:$0xe];
	[sflag:s13] =	ssyncadd.s32 @!p0 $0xFFFFFCE0  }
0x2a: {  	[spmem:s14], [sflag:s10] =	dma.local @!p0 [hbm:s5], $0x320  }
0x2b: {  	_ =	swait.ge @!p0 [sflag:s13], $0x320  }
0x2c: {  	[sflag:s13] =	ssyncset.done @!p0 $0x0  }
0x2d: {  	[sflag:s13] =	ssyncadd.s32 @!p0 $0xFFFFFCE0  }
0x2e: {  	[bflag:$0x0] =	sbarrier.arrive $0xFFFF  }
0x2f: {  	s10 =	rddreg [dreg:$0x6]  }
0x30: {  	[tilespmem:s3], [sflag:$0x1] =	stream.linear.gather [hbm4b:s10+s3], $0x6400, $0x38;
	[tilespmem:$0x13240] =	vst v63  }
0x31: {  	s13 =	simm.s32 $0x1  }
0x32: {  	[tilespmem:s15], [sflag:$0x2] =	stream.linear.gather [spmem:s2], $0x6400, $0x38;
	[tilespmem:$0x13240] =	vst v63  }
0x33: {  	_ =	swait.ge [sflag:s13], $0x6400  }
0x34: {  	[sflag:s13] =	ssyncset.done $0x0  }
0x35: {  	[sflag:s13] =	ssyncadd.s32 $0xFFFF9C00  }
0x36: {  	_ =	swait.ge [sflag:s17], $0x6400  }
0x37: {  	[sflag:s17] =	ssyncset.done $0x0  }
0x38: {  	[sflag:s17] =	ssyncadd.s32 $0xFFFF9C00  }
0x39: {  	[tilespmem:s15], [sflag:$0x3] =	stream.indirect.gather.add.f32 [hbm:s4], $0x20, s3, s18, $0xb8;
	[tilespmem:$0x13240] =	vst v63  }
0x3a: {  	_ = 	snop  }
0x3b: {  	[tilespmem:s20], [sflag:$0x3] =	stream.indirect.gather.add.f32 [hbm:s4], $0x20, s18, s19, $0xb8;
	[tilespmem:$0x13240] =	vst v63  }
0x3c: {  	s14 =	simm.s32 $0xC8  }
0x3d: {  	[tilespmem:s22], [sflag:$0x3] =	stream.indirect.gather.add.f32 [hbm:s4], $0x20, s14, s18, $0xb8;
	[tilespmem:$0x13240] =	vst v63  }
0x3e: {  	s16 =	simm.s32 $0x148  }
0x3f: {  	[tilespmem:s24], [sflag:$0x3] =	stream.indirect.gather.add.f32 [hbm:s4], $0x20, s16, s19, $0xb8;
	[tilespmem:$0x13240] =	vst v63  }
0x40: {  	s10 =	simm.s32 $0x190  }
0x41: {  	[tilespmem:s26], [sflag:$0x3] =	stream.indirect.gather.add.f32 [hbm:s4], $0x20, s10, s18, $0xb8;
	[tilespmem:$0x13240] =	vst v63  }
0x42: {  	s13 =	simm.s32 $0x210  }
0x43: {  	[tilespmem:s29], [sflag:$0x3] =	stream.indirect.gather.add.f32 [hbm:s4], $0x20, s13, s19, $0xb8;
	[tilespmem:$0x13240] =	vst v63  }
0x44: {  	s14 =	simm.s32 $0x258  }
0x45: {  	[tilespmem:s31], [sflag:$0x3] =	stream.indirect.gather.add.f32 [hbm:s4], $0x20, s14, s18, $0xb8;
	[tilespmem:$0x13240] =	vst v63  }
0x46: {  	s16 =	simm.s32 $0x2D8  }
0x47: {  	[tilespmem:s21], [sflag:$0x3] =	stream.indirect.gather.add.f32 [hbm:s4], $0x20, s16, s19, $0xb8;
	[tilespmem:$0x13240] =	vst v63  }
0x48: {  	_ = 	snop  }
0x49: {  	[tilespmem:s23], [sflag:$0x2] =	stream.linear.gather [spmem:s2], $0x6400, $0x38;
	[tilespmem:$0x13240] =	vst v63  }
0x4a: {  	_ =	swait.ge [sflag:s25], $0x1000  }
0x4b: {  	[sflag:s25] =	ssyncset.done $0x0  }
0x4c: {  	[sflag:s25] =	ssyncadd.s32 $0xFFFFF000  }
0x4d: {  	_ =	swait.ge [sflag:s25], $0x900  }
0x4e: {  	[sflag:s25] =	ssyncset.done $0x0  }
0x4f: {  	[sflag:s25] =	ssyncadd.s32 $0xFFFFF700  }
0x50: {  	_ =	swait.ge [sflag:s25], $0x1000  }
0x51: {  	[sflag:s25] =	ssyncset.done $0x0  }
0x52: {  	[sflag:s25] =	ssyncadd.s32 $0xFFFFF000  }
0x53: {  	_ =	swait.ge [sflag:s25], $0x900  }
0x54: {  	[sflag:s25] =	ssyncset.done $0x0  }
0x55: {  	[sflag:s25] =	ssyncadd.s32 $0xFFFFF700  }
0x56: {  	_ =	swait.ge [sflag:s25], $0x1000  }
0x57: {  	[sflag:s25] =	ssyncset.done $0x0  }
0x58: {  	[sflag:s25] =	ssyncadd.s32 $0xFFFFF000  }
0x59: {  	_ =	swait.ge [sflag:s25], $0x900  }
0x5a: {  	[sflag:s25] =	ssyncset.done $0x0  }
0x5b: {  	[sflag:s25] =	ssyncadd.s32 $0xFFFFF700  }
0x5c: {  	_ =	swait.ge [sflag:s25], $0x1000  }
0x5d: {  	[sflag:s25] =	ssyncset.done $0x0  }
0x5e: {  	[sflag:s25] =	ssyncadd.s32 $0xFFFFF000  }
0x5f: {  	_ =	swait.ge [sflag:s25], $0x900  }
0x60: {  	[sflag:s25] =	ssyncset.done $0x0  }
0x61: {  	s10 =	rddreg [dreg:$0x7];
	[sflag:s25] =	ssyncadd.s32 $0xFFFFF700  }
0x62: {  	[hbm4b:s10+s3] =	stream.linear.scatter [tilespmem:s15], [sflag:$0x4], $0x6400, $0x38;
	[tilespmem:$0x13240] =	vst v63  }
0x63: {  	_ =	swait.ge [sflag:s17], $0x6400  }
0x64: {  	[sflag:s17] =	ssyncset.done $0x0  }
0x65: {  	s13 =	simm.s32 $0x320;
	[sflag:s17] =	ssyncadd.s32 $0xFFFF9C00  }
0x66: {  	[tilespmem:s23], [sflag:$0x3] =	stream.indirect.gather.add.f32 [hbm:s4], $0x20, s13, s18, $0xb8;
	[tilespmem:$0x13240] =	vst v63  }
0x67: {  	s14 =	simm.s32 $0x3A0  }
0x68: {  	[tilespmem:s28], [sflag:$0x3] =	stream.indirect.gather.add.f32 [hbm:s4], $0x20, s14, s19, $0xb8;
	[tilespmem:$0x13240] =	vst v63  }
0x69: {  	s16 =	simm.s32 $0x3E8  }
0x6a: {  	[tilespmem:s30], [sflag:$0x3] =	stream.indirect.gather.add.f32 [hbm:s4], $0x20, s16, s18, $0xb8;
	[tilespmem:$0x13240] =	vst v63  }
0x6b: {  	s5 =	simm.s32 $0x468  }
0x6c: {  	[tilespmem:s0], [sflag:$0x3] =	stream.indirect.gather.add.f32 [hbm:s4], $0x20, s5, s19, $0xb8;
	[tilespmem:$0x13240] =	vst v63  }
0x6d: {  	s13 =	simm.s32 $0x4B0  }
0x6e: {  	[tilespmem:s6], [sflag:$0x3] =	stream.indirect.gather.add.f32 [hbm:s4], $0x20, s13, s18, $0xb8;
	[tilespmem:$0x13240] =	vst v63  }
0x6f: {  	s14 =	simm.s32 $0x530  }
0x70: {  	[tilespmem:s7], [sflag:$0x3] =	stream.indirect.gather.add.f32 [hbm:s4], $0x20, s14, s19, $0xb8;
	[tilespmem:$0x13240] =	vst v63  }
0x71: {  	s16 =	simm.s32 $0x578  }
0x72: {  	[tilespmem:s8], [sflag:$0x3] =	stream.indirect.gather.add.f32 [hbm:s4], $0x20, s16, s18, $0xb8;
	[tilespmem:$0x13240] =	vst v63  }
0x73: {  	s5 =	simm.s32 $0x5F8  }
0x74: {  	[tilespmem:s9], [sflag:$0x3] =	stream.indirect.gather.add.f32 [hbm:s4], $0x20, s5, s19, $0xb8;
	[tilespmem:$0x13240] =	vst v63  }
0x75: {  	_ =	swait.ge [sflag:s11], $0x6400  }
0x76: {  	[sflag:s11] =	ssyncset.done $0x0  }
0x77: {  	[sflag:s11] =	ssyncadd.s32 $0xFFFF9C00  }
0x78: {  	[tilespmem:s15], [sflag:$0x2] =	stream.linear.gather [spmem:s2], $0x6400, $0x38;
	[tilespmem:$0x13240] =	vst v63  }
0x79: {  	_ =	swait.ge [sflag:s25], $0x1000  }
0x7a: {  	[sflag:s25] =	ssyncset.done $0x0  }
0x7b: {  	[sflag:s25] =	ssyncadd.s32 $0xFFFFF000  }
0x7c: {  	_ =	swait.ge [sflag:s25], $0x900  }
0x7d: {  	[sflag:s25] =	ssyncset.done $0x0  }
0x7e: {  	[sflag:s25] =	ssyncadd.s32 $0xFFFFF700  }
0x7f: {  	_ =	swait.ge [sflag:s25], $0x1000  }
0x80: {  	[sflag:s25] =	ssyncset.done $0x0  }
0x81: {  	[sflag:s25] =	ssyncadd.s32 $0xFFFFF000  }
0x82: {  	_ =	swait.ge [sflag:s25], $0x900  }
0x83: {  	[sflag:s25] =	ssyncset.done $0x0  }
0x84: {  	[sflag:s25] =	ssyncadd.s32 $0xFFFFF700  }
0x85: {  	_ =	swait.ge [sflag:s25], $0x1000  }
0x86: {  	[sflag:s25] =	ssyncset.done $0x0  }
0x87: {  	[sflag:s25] =	ssyncadd.s32 $0xFFFFF000  }
0x88: {  	_ =	swait.ge [sflag:s25], $0x900  }
0x89: {  	[sflag:s25] =	ssyncset.done $0x0  }
0x8a: {  	[sflag:s25] =	ssyncadd.s32 $0xFFFFF700  }
0x8b: {  	_ =	swait.ge [sflag:s25], $0x1000  }
0x8c: {  	[sflag:s25] =	ssyncset.done $0x0  }
0x8d: {  	[sflag:s25] =	ssyncadd.s32 $0xFFFFF000  }
0x8e: {  	_ =	swait.ge [sflag:s25], $0x900  }
0x8f: {  	s13 =	rddreg [dreg:$0x4];
	[sflag:s25] =	ssyncset.done $0x0  }
0x90: {  	[sflag:s25] =	ssyncadd.s32 $0xFFFFF700;
	s10 =	sadd.s32 $0x0, s13  }
0x91: {  	[hbm4b:s10+s3] =	stream.linear.scatter [tilespmem:s23], [sflag:$0x4], $0x6400, $0x38;
	[tilespmem:$0x13240] =	vst v63  }
0x92: {  	_ =	swait.ge [sflag:s17], $0x6400  }
0x93: {  	[sflag:s17] =	ssyncset.done $0x0  }
0x94: {  	s14 =	simm.s32 $0x640;
	[sflag:s17] =	ssyncadd.s32 $0xFFFF9C00  }
0x95: {  	[tilespmem:s15], [sflag:$0x3] =	stream.indirect.gather.add.f32 [hbm:s4], $0x20, s14, s18, $0xb8;
	[tilespmem:$0x13240] =	vst v63  }
0x96: {  	s16 =	simm.s32 $0x6C0  }
0x97: {  	[tilespmem:s20], [sflag:$0x3] =	stream.indirect.gather.add.f32 [hbm:s4], $0x20, s16, s19, $0xb8;
	[tilespmem:$0x13240] =	vst v63  }
0x98: {  	s5 =	simm.s32 $0x708  }
0x99: {  	[tilespmem:s22], [sflag:$0x3] =	stream.indirect.gather.add.f32 [hbm:s4], $0x20, s5, s18, $0xb8;
	[tilespmem:$0x13240] =	vst v63  }
0x9a: {  	s13 =	simm.s32 $0x788  }
0x9b: {  	[tilespmem:s24], [sflag:$0x3] =	stream.indirect.gather.add.f32 [hbm:s4], $0x20, s13, s19, $0xb8;
	[tilespmem:$0x13240] =	vst v63  }
0x9c: {  	s14 =	simm.s32 $0x7D0  }
0x9d: {  	[tilespmem:s26], [sflag:$0x3] =	stream.indirect.gather.add.f32 [hbm:s4], $0x20, s14, s18, $0xb8;
	[tilespmem:$0x13240] =	vst v63  }
0x9e: {  	s16 =	simm.s32 $0x850  }
0x9f: {  	[tilespmem:s29], [sflag:$0x3] =	stream.indirect.gather.add.f32 [hbm:s4], $0x20, s16, s19, $0xb8;
	[tilespmem:$0x13240] =	vst v63  }
0xa0: {  	s5 =	simm.s32 $0x898  }
0xa1: {  	[tilespmem:s31], [sflag:$0x3] =	stream.indirect.gather.add.f32 [hbm:s4], $0x20, s5, s18, $0xb8;
	[tilespmem:$0x13240] =	vst v63  }
0xa2: {  	s13 =	simm.s32 $0x918  }
0xa3: {  	[tilespmem:s21], [sflag:$0x3] =	stream.indirect.gather.add.f32 [hbm:s4], $0x20, s13, s19, $0xb8;
	[tilespmem:$0x13240] =	vst v63  }
0xa4: {  	_ =	swait.ge [sflag:s11], $0x6400  }
0xa5: {  	[sflag:s11] =	ssyncset.done $0x0  }
0xa6: {  	[sflag:s11] =	ssyncadd.s32 $0xFFFF9C00  }
0xa7: {  	[tilespmem:s23], [sflag:$0x2] =	stream.linear.gather [spmem:s2], $0x6400, $0x38;
	[tilespmem:$0x13240] =	vst v63  }
0xa8: {  	_ =	swait.ge [sflag:s25], $0x1000  }
0xa9: {  	[sflag:s25] =	ssyncset.done $0x0  }
0xaa: {  	[sflag:s25] =	ssyncadd.s32 $0xFFFFF000  }
0xab: {  	_ =	swait.ge [sflag:s25], $0x900  }
0xac: {  	[sflag:s25] =	ssyncset.done $0x0  }
0xad: {  	[sflag:s25] =	ssyncadd.s32 $0xFFFFF700  }
0xae: {  	_ =	swait.ge [sflag:s25], $0x1000  }
0xaf: {  	[sflag:s25] =	ssyncset.done $0x0  }
0xb0: {  	[sflag:s25] =	ssyncadd.s32 $0xFFFFF000  }
0xb1: {  	_ =	swait.ge [sflag:s25], $0x900  }
0xb2: {  	[sflag:s25] =	ssyncset.done $0x0  }
0xb3: {  	[sflag:s25] =	ssyncadd.s32 $0xFFFFF700  }
0xb4: {  	_ =	swait.ge [sflag:s25], $0x1000  }
0xb5: {  	[sflag:s25] =	ssyncset.done $0x0  }
0xb6: {  	[sflag:s25] =	ssyncadd.s32 $0xFFFFF000  }
0xb7: {  	_ =	swait.ge [sflag:s25], $0x900  }
0xb8: {  	[sflag:s25] =	ssyncset.done $0x0  }
0xb9: {  	[sflag:s25] =	ssyncadd.s32 $0xFFFFF700  }
0xba: {  	_ =	swait.ge [sflag:s25], $0x1000  }
0xbb: {  	s14 =	rddreg [dreg:$0xa]  }
0xbc: {  	s16 =	smulhi.u32 $0x51EB851F, s14  }
0xbd: {  	[sflag:s25] =	ssyncset.done $0x0  }
0xbe: {  	[sflag:s25] =	ssyncadd.s32 $0xFFFFF000;
	s10 =	sshrl.u32 s16, $0x6  }
0xbf: {  	_ =	swait.ge [sflag:s25], $0x900;
	s10 =	smul.u32 $0x320, s10  }
0xc0: {  	s13 =	simm.s32 $0x1900;
	[sflag:s25] =	ssyncset.done $0x0  }
0xc1: {  	s14 =	sadd.s32 $0x640, s14;
	[sflag:s25] =	ssyncadd.s32 $0xFFFFF700;
	s10 =	sadd.s32 s1, s10  }
.LBB2_2:
0xc2: {  	[hbm4b:s10+s3] =	stream.linear.scatter [tilespmem:s15], [sflag:$0x4], $0x6400, $0x38;
	[tilespmem:$0x13240] =	vst v63  }
0xc3: {  	s10 =	smov.u32 s13;
	_ =	swait.ge [sflag:s17], $0x6400  }
0xc4: {  	s16 =	sshra.s32 s10, $0x2;
	[sflag:s17] =	ssyncset.done $0x0  }
0xc5: {  	s5 =	sadd.s32 $0x320, s16;
	[sflag:s17] =	ssyncadd.s32 $0xFFFF9C00  }
0xc6: {  	[tilespmem:s23], [sflag:$0x3] =	stream.indirect.gather.add.f32 [hbm:s4], $0x20, s5, s18, $0xb8;
	[tilespmem:$0x13240] =	vst v63  }
0xc7: {  	s5 =	sadd.s32 $0x3A0, s16  }
0xc8: {  	[tilespmem:s28], [sflag:$0x3] =	stream.indirect.gather.add.f32 [hbm:s4], $0x20, s5, s19, $0xb8;
	[tilespmem:$0x13240] =	vst v63  }
0xc9: {  	s5 =	sadd.s32 $0x3E8, s16  }
0xca: {  	[tilespmem:s30], [sflag:$0x3] =	stream.indirect.gather.add.f32 [hbm:s4], $0x20, s5, s18, $0xb8;
	[tilespmem:$0x13240] =	vst v63  }
0xcb: {  	s5 =	sadd.s32 $0x468, s16  }
0xcc: {  	[tilespmem:s0], [sflag:$0x3] =	stream.indirect.gather.add.f32 [hbm:s4], $0x20, s5, s19, $0xb8;
	[tilespmem:$0x13240] =	vst v63  }
0xcd: {  	s5 =	sadd.s32 $0x4B0, s16  }
0xce: {  	[tilespmem:s6], [sflag:$0x3] =	stream.indirect.gather.add.f32 [hbm:s4], $0x20, s5, s18, $0xb8;
	[tilespmem:$0x13240] =	vst v63  }
0xcf: {  	s5 =	sadd.s32 $0x530, s16  }
0xd0: {  	[tilespmem:s7], [sflag:$0x3] =	stream.indirect.gather.add.f32 [hbm:s4], $0x20, s5, s19, $0xb8;
	[tilespmem:$0x13240] =	vst v63  }
0xd1: {  	s5 =	sadd.s32 $0x578, s16  }
0xd2: {  	[tilespmem:s8], [sflag:$0x3] =	stream.indirect.gather.add.f32 [hbm:s4], $0x20, s5, s18, $0xb8;
	[tilespmem:$0x13240] =	vst v63  }
0xd3: {  	s5 =	sadd.s32 $0x5F8, s16  }
0xd4: {  	[tilespmem:s9], [sflag:$0x3] =	stream.indirect.gather.add.f32 [hbm:s4], $0x20, s5, s19, $0xb8;
	[tilespmem:$0x13240] =	vst v63  }
0xd5: {  	_ =	swait.ge [sflag:s11], $0x6400  }
0xd6: {  	[sflag:s11] =	ssyncset.done $0x0  }
0xd7: {  	[sflag:s11] =	ssyncadd.s32 $0xFFFF9C00  }
0xd8: {  	[tilespmem:s15], [sflag:$0x2] =	stream.linear.gather [spmem:s2], $0x6400, $0x38;
	[tilespmem:$0x13240] =	vst v63  }
0xd9: {  	_ =	swait.ge [sflag:s25], $0x1000  }
0xda: {  	[sflag:s25] =	ssyncset.done $0x0  }
0xdb: {  	[sflag:s25] =	ssyncadd.s32 $0xFFFFF000  }
0xdc: {  	_ =	swait.ge [sflag:s25], $0x900  }
0xdd: {  	[sflag:s25] =	ssyncset.done $0x0  }
0xde: {  	[sflag:s25] =	ssyncadd.s32 $0xFFFFF700  }
0xdf: {  	_ =	swait.ge [sflag:s25], $0x1000  }
0xe0: {  	[sflag:s25] =	ssyncset.done $0x0  }
0xe1: {  	[sflag:s25] =	ssyncadd.s32 $0xFFFFF000  }
0xe2: {  	_ =	swait.ge [sflag:s25], $0x900  }
0xe3: {  	[sflag:s25] =	ssyncset.done $0x0  }
0xe4: {  	[sflag:s25] =	ssyncadd.s32 $0xFFFFF700  }
0xe5: {  	_ =	swait.ge [sflag:s25], $0x1000  }
0xe6: {  	[sflag:s25] =	ssyncset.done $0x0  }
0xe7: {  	[sflag:s25] =	ssyncadd.s32 $0xFFFFF000  }
0xe8: {  	_ =	swait.ge [sflag:s25], $0x900  }
0xe9: {  	[sflag:s25] =	ssyncset.done $0x0  }
0xea: {  	[sflag:s25] =	ssyncadd.s32 $0xFFFFF700  }
0xeb: {  	_ =	swait.ge [sflag:s25], $0x1000  }
0xec: {  	[sflag:s25] =	ssyncset.done $0x0  }
0xed: {  	[sflag:s25] =	ssyncadd.s32 $0xFFFFF000  }
0xee: {  	_ =	swait.ge [sflag:s25], $0x900  }
0xef: {  	s5 =	rddreg [dreg:$0x4];
	[sflag:s25] =	ssyncset.done $0x0  }
0xf0: {  	[sflag:s25] =	ssyncadd.s32 $0xFFFFF700;
	s5 =	sadd.s32 s10, s5  }
0xf1: {  	[hbm4b:s5+s3] =	stream.linear.scatter [tilespmem:s23], [sflag:$0x4], $0x6400, $0x38;
	[tilespmem:$0x13240] =	vst v63  }
0xf2: {  	_ =	swait.ge [sflag:s17], $0x6400  }
0xf3: {  	[sflag:s17] =	ssyncset.done $0x0  }
0xf4: {  	s10 =	sadd.s32 $0x640, s16;
	[sflag:s17] =	ssyncadd.s32 $0xFFFF9C00  }
0xf5: {  	[tilespmem:s15], [sflag:$0x3] =	stream.indirect.gather.add.f32 [hbm:s4], $0x20, s10, s18, $0xb8;
	[tilespmem:$0x13240] =	vst v63  }
0xf6: {  	s10 =	sadd.s32 $0x6C0, s16  }
0xf7: {  	[tilespmem:s20], [sflag:$0x3] =	stream.indirect.gather.add.f32 [hbm:s4], $0x20, s10, s19, $0xb8;
	[tilespmem:$0x13240] =	vst v63  }
0xf8: {  	s10 =	sadd.s32 $0x708, s16  }
0xf9: {  	[tilespmem:s22], [sflag:$0x3] =	stream.indirect.gather.add.f32 [hbm:s4], $0x20, s10, s18, $0xb8;
	[tilespmem:$0x13240] =	vst v63  }
0xfa: {  	s10 =	sadd.s32 $0x788, s16  }
0xfb: {  	[tilespmem:s24], [sflag:$0x3] =	stream.indirect.gather.add.f32 [hbm:s4], $0x20, s10, s19, $0xb8;
	[tilespmem:$0x13240] =	vst v63  }
0xfc: {  	s10 =	sadd.s32 $0x7D0, s16  }
0xfd: {  	[tilespmem:s26], [sflag:$0x3] =	stream.indirect.gather.add.f32 [hbm:s4], $0x20, s10, s18, $0xb8;
	[tilespmem:$0x13240] =	vst v63  }
0xfe: {  	s10 =	sadd.s32 $0x850, s16  }
0xff: {  	[tilespmem:s29], [sflag:$0x3] =	stream.indirect.gather.add.f32 [hbm:s4], $0x20, s10, s19, $0xb8;
	[tilespmem:$0x13240] =	vst v63  }
0x100: {  	s10 =	sadd.s32 $0x898, s16  }
0x101: {  	[tilespmem:s31], [sflag:$0x3] =	stream.indirect.gather.add.f32 [hbm:s4], $0x20, s10, s18, $0xb8;
	[tilespmem:$0x13240] =	vst v63  }
0x102: {  	s10 =	sadd.s32 $0x918, s16  }
0x103: {  	[tilespmem:s21], [sflag:$0x3] =	stream.indirect.gather.add.f32 [hbm:s4], $0x20, s10, s19, $0xb8;
	[tilespmem:$0x13240] =	vst v63  }
0x104: {  	_ =	swait.ge [sflag:s11], $0x6400  }
0x105: {  	[sflag:s11] =	ssyncset.done $0x0  }
0x106: {  	[sflag:s11] =	ssyncadd.s32 $0xFFFF9C00  }
0x107: {  	[tilespmem:s23], [sflag:$0x2] =	stream.linear.gather [spmem:s2], $0x6400, $0x38;
	[tilespmem:$0x13240] =	vst v63  }
0x108: {  	_ =	swait.ge [sflag:s25], $0x1000  }
0x109: {  	[sflag:s25] =	ssyncset.done $0x0  }
0x10a: {  	[sflag:s25] =	ssyncadd.s32 $0xFFFFF000  }
0x10b: {  	_ =	swait.ge [sflag:s25], $0x900  }
0x10c: {  	[sflag:s25] =	ssyncset.done $0x0  }
0x10d: {  	[sflag:s25] =	ssyncadd.s32 $0xFFFFF700  }
0x10e: {  	_ =	swait.ge [sflag:s25], $0x1000  }
0x10f: {  	[sflag:s25] =	ssyncset.done $0x0  }
0x110: {  	[sflag:s25] =	ssyncadd.s32 $0xFFFFF000  }
0x111: {  	_ =	swait.ge [sflag:s25], $0x900  }
0x112: {  	[sflag:s25] =	ssyncset.done $0x0  }
0x113: {  	[sflag:s25] =	ssyncadd.s32 $0xFFFFF700  }
0x114: {  	_ =	swait.ge [sflag:s25], $0x1000  }
0x115: {  	[sflag:s25] =	ssyncset.done $0x0  }
0x116: {  	[sflag:s25] =	ssyncadd.s32 $0xFFFFF000  }
0x117: {  	_ =	swait.ge [sflag:s25], $0x900  }
0x118: {  	[sflag:s25] =	ssyncset.done $0x0  }
0x119: {  	[sflag:s25] =	ssyncadd.s32 $0xFFFFF700  }
0x11a: {  	p1 =	sne.s32 s13, $0x15E00;
	s16 =	smulhi.u32 $0x51EB851F, s14;
	_ =	swait.ge [sflag:s25], $0x1000  }
.Ltmp0:
0x11b: {  	[sflag:s25] =	ssyncset.done $0x0;
	(pc) =	sbr.rel @p1 .LBB2_2-.Ltmp0, $4  }
0x11c: {  	s5 =	sshrl.u32 s16, $0x6;
	[sflag:s25] =	ssyncadd.s32 $0xFFFFF000  }
0x11d: {  	s5 =	smul.u32 $0x320, s5;
	_ =	swait.ge [sflag:s25], $0x900  }
0x11e: {  	s13 =	sadd.s32 $0x1900, s13;
	[sflag:s25] =	ssyncset.done $0x0  }
0x11f: {  	s14 =	sadd.s32 $0x640, s14;
	s10 =	sadd.s32 s1, s5;
	[sflag:s25] =	ssyncadd.s32 $0xFFFFF700  }
0x120: {  	[hbm4b:s10+s3] =	stream.linear.scatter [tilespmem:s15], [sflag:$0x4], $0x6400, $0x38;
	[tilespmem:$0x13240] =	vst v63  }
0x121: {  	_ =	swait.ge [sflag:s17], $0x6400  }
0x122: {  	[sflag:s17] =	ssyncset.done $0x0  }
0x123: {  	s5 =	simm.s32 $0x60E0;
	[sflag:s17] =	ssyncadd.s32 $0xFFFF9C00  }
0x124: {  	[tilespmem:s23], [sflag:$0x3] =	stream.indirect.gather.add.f32 [hbm:s4], $0x20, s5, s18, $0xb8;
	[tilespmem:$0x13240] =	vst v63  }
0x125: {  	s16 =	simm.s32 $0x6160  }
0x126: {  	[tilespmem:s28], [sflag:$0x3] =	stream.indirect.gather.add.f32 [hbm:s4], $0x20, s16, s19, $0xb8;
	[tilespmem:$0x13240] =	vst v63  }
0x127: {  	s10 =	simm.s32 $0x61A8  }
0x128: {  	[tilespmem:s30], [sflag:$0x3] =	stream.indirect.gather.add.f32 [hbm:s4], $0x20, s10, s18, $0xb8;
	[tilespmem:$0x13240] =	vst v63  }
0x129: {  	s13 =	simm.s32 $0x6228  }
0x12a: {  	[tilespmem:s0], [sflag:$0x3] =	stream.indirect.gather.add.f32 [hbm:s4], $0x20, s13, s19, $0xb8;
	[tilespmem:$0x13240] =	vst v63  }
0x12b: {  	s14 =	simm.s32 $0x6270  }
0x12c: {  	[tilespmem:s6], [sflag:$0x3] =	stream.indirect.gather.add.f32 [hbm:s4], $0x20, s14, s18, $0xb8;
	[tilespmem:$0x13240] =	vst v63  }
0x12d: {  	s16 =	simm.s32 $0x62F0  }
0x12e: {  	[tilespmem:s7], [sflag:$0x3] =	stream.indirect.gather.add.f32 [hbm:s4], $0x20, s16, s19, $0xb8;
	[tilespmem:$0x13240] =	vst v63  }
0x12f: {  	s10 =	simm.s32 $0x6338  }
0x130: {  	[tilespmem:s8], [sflag:$0x3] =	stream.indirect.gather.add.f32 [hbm:s4], $0x20, s10, s18, $0xb8;
	[tilespmem:$0x13240] =	vst v63  }
0x131: {  	s13 =	simm.s32 $0x63B8  }
0x132: {  	[tilespmem:s9], [sflag:$0x3] =	stream.indirect.gather.add.f32 [hbm:s4], $0x20, s13, s19, $0xb8;
	[tilespmem:$0x13240] =	vst v63  }
0x133: {  	_ =	swait.ge [sflag:s25], $0x1000  }
0x134: {  	[sflag:s25] =	ssyncset.done $0x0  }
0x135: {  	[sflag:s25] =	ssyncadd.s32 $0xFFFFF000  }
0x136: {  	_ =	swait.ge [sflag:s25], $0x900  }
0x137: {  	[sflag:s25] =	ssyncset.done $0x0  }
0x138: {  	[sflag:s25] =	ssyncadd.s32 $0xFFFFF700  }
0x139: {  	_ =	swait.ge [sflag:s25], $0x1000  }
0x13a: {  	[sflag:s25] =	ssyncset.done $0x0  }
0x13b: {  	[sflag:s25] =	ssyncadd.s32 $0xFFFFF000  }
0x13c: {  	_ =	swait.ge [sflag:s25], $0x900  }
0x13d: {  	[sflag:s25] =	ssyncset.done $0x0  }
0x13e: {  	[sflag:s25] =	ssyncadd.s32 $0xFFFFF700  }
0x13f: {  	_ =	swait.ge [sflag:s25], $0x1000  }
0x140: {  	[sflag:s25] =	ssyncset.done $0x0  }
0x141: {  	[sflag:s25] =	ssyncadd.s32 $0xFFFFF000  }
0x142: {  	_ =	swait.ge [sflag:s25], $0x900  }
0x143: {  	[sflag:s25] =	ssyncset.done $0x0  }
0x144: {  	[sflag:s25] =	ssyncadd.s32 $0xFFFFF700  }
0x145: {  	_ =	swait.ge [sflag:s25], $0x1000  }
0x146: {  	[sflag:s25] =	ssyncset.done $0x0  }
0x147: {  	[sflag:s25] =	ssyncadd.s32 $0xFFFFF000  }
0x148: {  	_ =	swait.ge [sflag:s25], $0x900  }
0x149: {  	[sflag:s25] =	ssyncset.done $0x0  }
0x14a: {  	s14 =	rddreg [dreg:$0x8];
	[sflag:s25] =	ssyncadd.s32 $0xFFFFF700  }
0x14b: {  	[hbm4b:s14+s3] =	stream.linear.scatter [tilespmem:s23], [sflag:$0x4], $0x6400, $0x38;
	[tilespmem:$0x13240] =	vst v63  }
0x14c: {  	_ =	swait.ge [sflag:s11], $0x6400  }
0x14d: {  	[sflag:s11] =	ssyncset.done $0x0  }
0x14e: {  	[sflag:s11] =	ssyncadd.s32 $0xFFFF9C00  }
0x14f: {  	_ =	swait.ge [sflag:s11], $0x6400  }
0x150: {  	s12 =	sadd.s32 $0x1, s12;
	s16 =	rddreg [dreg:$0x9]  }
0x151: {  	p1 =	sne.s32 s12, s16  }
.Ltmp1:
0x152: {  	_ = 	snop;
	(pc) =	sbr.rel @p1 .LBB2_1-.Ltmp1, $3  }
0x153: {  	_ =	sdelay $0x1  }
0x154: {  	[sflag:s11] =	ssyncset.done $0x0  }
0x155: {  	[sflag:s11] =	ssyncadd.s32 $0xFFFF9C00  }
0x156: {  	_ =	sfence.sel $0x180000  }
0x157: {  	[bflag:$0x0] =	sbarrier.arrive $0xFFFF  }
0x158: {  	_ =	strace $0x90000047  }
0x159: {  	[bflag:$0x2] =	sbarrier.arrive $0xFFFF  }
0x15a: {  	s0 =	rddreg [dreg:$0x3]  }
0x15b: {  	s0 =	sadd.s32 @!p0 $0x100000, s0  }
0x15c: {  	[sflag:s0] =	ssyncadd.tile.s32 @!p0 $0x1;
	_ =	shalt  }
.Lfunc_end2:
_tile_overlayer_lowered:
.L_overlay_start_2:
0x15d: {  	(tag) =	ssettag $0x2  }
0x15e: {  	s0 =	rddreg [dreg:$0x0];
	s2 =	stileid.u32  }
0x15f: {  	s1 =	rddreg [dreg:$0x1];
	p0 =	sne.s32 s2, $0x0  }
0x160: {  	s3 =	rddreg [dreg:$0x2];
	[bflag:$0x3] =	sbarrier.arrive $0xFFFF;
	s2 =	simm.s32 @!p0 $0x1C05  }
0x161: {  	[timem:s3], [sflag:s2] =	dma.local @!p0 [hbm:s0], s1  }
0x162: {  	s0 =	simm.s32 @!p0 $0x5  }
0x163: {  	_ =	swait.ge @!p0 [sflag:s0], s1  }
0x164: {  	s1 =	ssub.s32 @!p0 $0x0, s1;
	[sflag:s0] =	ssyncset.done @!p0 $0x0  }
0x165: {  	[sflag:s0] =	ssyncadd.s32 @!p0 s1  }
0x166: {  	[bflag:$0x3] =	sbarrier.arrive $0xFFFF  }
0x167: {  	_ =	shalt  }

// kernel: sparse-core-data-format-call.cloned.1.call-start
scs
called_computation_lowered:
.L_overlay_start_0:
0x0: {  	s2 =	sld [smem:$0x3FD9]  }
0x1: {  	s3 =	sld [smem:$0x3FFE];
	_ =	sdelay $0x1  }
0x2: {  	s1 =	srdreg.scid  }
0x3: {  	s0 =	sand.u32 $0x1, s1  }
0x4: {  	s18 =	sshll.u32 s0, $0xA;
	s2 =	sadd.s32 s3, s2  }
0x5: {  	s2 =	sadd.s32 s2, s18  }
0x6: {  	[smem:$0x3FC5] =	sst s2  }
0x7: {  	_ = 	snop  }
0x8: {  	s2 =	sld [smem:$0x3FD0];
	(tm) =	ssettm $0x1  }
0x9: {  	s19 =	sld [smem:$0x3FFB];
	_ =	sdelay $0x3  }
0xa: {  	_ =	strace s19  }
0xb: {  	s3 =	sld [smem:$0x3FFC];
	_ =	sdelay $0x3  }
0xc: {  	_ =	strace s3  }
0xd: {  	s3 =	sld [smem:$0x3FFD];
	_ =	sdelay $0x3  }
0xe: {  	_ =	strace s3  }
0xf: {  	_ =	strace $0x8FFFFFFF  }
0x10: {  	s20 =	sld [smem:$0x3FDB];
	_ =	sdelay $0x1  }
0x11: {  	s4 =	simm.s32 $_scs_section_size  }
0x12: {  	s5 =	simm.s32 $_size__tile_overlayer_lowered;
	s6 =	simm.s32 $_tile_overlayer_lowered  }
0x13: {  	s23 =	simm.s32 $0x1BFF;
	s22 =	sshll.u32 s6, $0x1;
	s3 =	sadd.s32 s4, s20  }
0x14: {  	s7 =	simm.s32 $0x0;
	s21 =	sshll.u32 s5, $0x1;
	s5 =	sadd.s32 s22, s3  }
0x15: {  	[timem:s7], [sflag:s23] =	dma.local [hbm:s5], s21  }
0x16: {  	_ =	swait.ge [sflag:s23], s21  }
0x17: {  	s4 =	ssub.s32 $0x0, s21;
	[sflag:s23] =	ssyncset.done $0x0  }
0x18: {  	[sflag:s23] =	ssyncadd.s32 s4;
	_ =	sdelay $0x1  }
0x19: {  	s24 =	simm.s32 $0x1B8B  }
0x1a: {  	_ =	swait.ge [sflag:s24], $0x1  }
0x1b: {  	[sflag:s24] =	ssyncset.done $0x0  }
0x1c: {  	s26 =	simm.s32 $0x1B8E;
	s25 =	sld [smem:$0x3FFE];
	[sflag:s24] =	ssyncadd.s32 $0xFFFFFFFF  }
0x1d: {  	s27 =	simm.s32 $execute0_lowered;
	[smem:$0x3FD2] =	sst s26  }
0x1e: {  	s5 =	sshll.u32 s27, $0x1;
	_ =	strace $0x80000049;
	[dreg:$0x1] =	wrdreg $0xFFFFFFFF  }
0x1f: {  	s28 =	simm.s32 $_size_execute0_lowered;
	s3 =	sadd.s32 s3, s5;
	[dreg:$0x0] =	wrdreg $0x0  }
0x20: {  	s5 =	sshll.u32 s28, $0x1;
	[dreg:$0x2] =	wrdreg s3  }
0x21: {  	[dreg:$0x3] =	wrdreg s5  }
0x22: {  	[dreg:$0x4] =	wrdreg $0xC0  }
0x23: {  	_ =	task [dreg:s7], $0x5FFFF  }
0x24: {  	[dreg:$0x1] =	wrdreg $0xFFFFFFFF  }
0x25: {  	[dreg:$0x0] =	wrdreg $0x60  }
0x26: {  	[dreg:$0x2] =	wrdreg s25  }
0x27: {  	[dreg:$0x3] =	wrdreg s2  }
0x28: {  	[dreg:$0x4] =	wrdreg $0x9  }
0x29: {  	_ =	task.clear_ibuf [dreg:s7], $0x5FFFF;
	_ =	strace $0x90000049  }
0x2a: {  	s29 =	simm.s32 $0x9;
	_ =	strace $0x8000004B  }
0x2b: {  	_ =	swait.ge [sflag:s29], $0x1  }
0x2c: {  	[sflag:s29] =	ssyncadd.s32 $0xFFFFFFFF  }
0x2d: {  	_ =	strace $0x9000004B  }
0x2e: {  	_ =	sfence  }
0x2f: {  	s30 =	sld [smem:$0x0];
	_ =	sdelay $0x2  }
0x30: {  	s31 =	sshll.u32 s1, $0xD;
	s1 =	sshrl.u32 s1, $0x2  }
0x31: {  	s3 =	sand.u32 $0x4000, s31;
	s1 =	sadd.s32 s1, s30  }
0x32: {  	s0 =	sor.u32 s3, s0;
	s1 =	sshll.u32 s1, $0x11  }
0x33: {  	s0 =	sor.u32 s1, s0  }
0x34: {  	s0 =	sadd.s32 $0x8F2B, s0  }
0x35: {  	[sflag:s0] =	ssyncadd.remote.s32 $0x1  }
0x36: {  	_ =	sfence.sel $0xFFFF  }
0x37: {  	[dreg:$0x0] =	wrdreg $0xFFFFFFFF;
	(pc) =	sbr.abs _section_cstart, $3  }
0x38: {  	[dreg:$0x1] =	wrdreg $0xFFFFFFFF  }
0x39: {  	_ =	task.clear_ibuf [dreg:s7], $0x2FFFF;
	_ =	strace $0x9FFFFFFF  }
0x3a: {  	(tm) =	ssettm $0x7FFFFFFF  }
0x3b: {  	_ =	shalt  }
tec
execute0_lowered:
.L_overlay_start_1:
0x0: {  	(tag) =	ssettag $0x1  }
0x1: {  	s0 =	srdreg.scid  }
0x2: {  	s1 =	sshll.u32 s0, $0x4  }
0x3: {  	s0 =	stileid.u32;
	s1 =	sand.u32 $0x10, s1  }
0x4: {  	s1 =	sor.u32 s0, s1  }
0x5: {  	s6 =	rddreg [dreg:$0x0];
	s4 =	simm.s32 $0x1;
	s2 =	sshll.u32 s1, $0x7  }
0x6: {  	s7 =	simm.s32 $0x2;
	s12 =	simm.s32 $0x0;
	s1 =	ssub.s32 $0x1000, s2  }
0x7: {  	s8 =	simm.s32 $0x8000;
	s13 =	simm.s32 $0x0;
	s3 =	sand.u32 $0xF80, s1  }
0x8: {  	s9 =	simm.s32 $0x0;
	s5 =	sshrl.u32 s1, $0xC;
	p0 =	sne.s32 s3, $0x0  }
.Ltmp0:
0x9: {  	s1 =	rddreg [dreg:$0x2];
	s4 =	simm.s32 @!p0 $0x0;
	(pc) =	sbr.rel .LBB1_1-.Ltmp0, $4  }
0xa: {  	s11 =	simm.s32 $0x0;
	s3 =	rddreg [dreg:$0x1];
	s5 =	sadd.s32 s4, s5  }
0xb: {  	_ =	strace $0x8000004A;
	s4 =	simm.s32 $0x1;
	s5 =	smul.u32 $0xC8, s5  }
0xc: {  	s6 =	sadd.s32 $0x800, s6;
	s10 =	smov.u32 s2;
	[sflag:s4] =	ssyncpa.u1 $0x0  }
0xd: {  	p0 =	por $0x0, $0x0;
	[sflag:s7] =	ssyncpa.u1 $0x0;
	s7 =	sor.u32 $0x1, s5  }
.LBB1_4:
0xe: {  	s16 =	sshll.u32 s13, $0x3;
	s17 =	sand.u32 $0x78, s13  }
0xf: {  	s30 =	sand.u32 $0x3E00, s13;
	s12 =	sshll.u32 s12, $0xE;
	s16 =	sand.u32 $0xC00, s16  }
0x10: {  	s31 =	sand.u32 $0x7, s13;
	s16 =	sor.u32 s17, s16;
	s17 =	sadd.s32 s3, s30  }
0x11: {  	s13 =	sshll.u32 s31, $0x12;
	s16 =	sshrl.u32 s16, $0x3;
	s12 =	sadd.s32 s12, s17  }
0x12: {  	[tilespmem:s15+$0x0 ss:$0x81] =	vst.msk $0xffff, v0;
	s13 =	sor.u32 $0x400, s13;
	s12 =	sadd.s32 s16, s12  }
0x13: {  	[hbm4b:s12+s13] =	stream.strided.scatter [tilespmem:s14], [sflag:$0x2], $0x1000, s8, s13, $0x20;
	[tilespmem:$0x4040] =	vst v63  }
.LBB1_5:
0x14: {  	s14 =	sadd.s32 $0x1, s9  }
0x15: {  	s12 =	sadd.s32 $0x1000, s10;
	s16 =	smov.u32 s10;
	p2 =	sgt.s32 s14, $0xC7  }
0x16: {  	s16 =	smov.u32 @p2 s12  }
0x17: {  	s14 =	simm.s32 @p2 $0x0;
	p2 =	sgt.s32 s16, $0xFFF  }
0x18: {  	s16 =	smov.u32 @p2 s2;
	p2 =	sne.s32 s11, s7  }
.Ltmp1:
0x19: {  	p1 =	slt.u32 s11, $0x2;
	(pc) =	sbr.rel @!p2 .LBB1_6-.Ltmp1, $4  }
0x1a: {  	s15 =	simm.s32 @!p1 $0x2  }
0x1b: {  	s13 =	smov.u32 s10;
	p0 =	por !p0, !p0;
	_ =	swait.ge @!p1 [sflag:s15], $0x1000  }
0x1c: {  	s12 =	smov.u32 s9;
	[sflag:s15] =	ssyncset.done @!p1 $0x0;
	s9 =	smov.u32 s14  }
0x1d: {  	s11 =	sadd.s32 $0x1, s11;
	[sflag:s15] =	ssyncadd.s32 @!p1 $0xFFFFF000;
	s10 =	smov.u32 s16  }
.LBB1_1:
0x1e: {  	p1 =	sge.u32 s11, s5  }
0x1f: {  	s14 =	sand.u32 @!p1 $0x1FFFFFF, s9  }
0x20: {  	s15 =	smulhi.u32 @!p1 $0x147AE15, s14;
	_ =	sdelay $0x1  }
0x21: {  	s15 =	smul.u32 @!p1 $0xC8, s15  }
0x22: {  	s16 =	sxor.u32 @!p1 $0xFFFFFFFF, s11;
	s17 =	smul.u32 @!p1 $0xC80, s10  }
0x23: {  	s31 =	sadd.s32 $0xFFFFFFFF, s11;
	s16 =	sshll.u32 @!p1 s16, $0xC;
	s14 =	ssub.s32 @!p1 s14, s15  }
0x24: {  	s15 =	sand.u32 @!p1 $0x1000, s16;
	s16 =	sadd.s32 @!p1 s6, s17;
	s14 =	sshll.u32 @!p1 s14, $0x4  }
0x25: {  	s17 =	simm.s32 @!p1 $0x6400;
	s14 =	sadd.s32 @!p1 s14, s16;
	s16 =	simm.s32 @!p1 $0x20  }
0x26: {  	[tilespmem:s15], [sflag:$0x1] =	stream.strided.gather @!p1 [hbm4b:s14+s16], $0x1000, s17, s16, $0x38;
	[tilespmem:$0x4040] =	vst v63  }
0x27: {  	p1 =	sge.u32 s31, s5  }
.Ltmp2:
0x28: {  	_ = 	snop;
	(pc) =	sbr.rel @p1 .LBB1_5-.Ltmp2, $1  }
0x29: {  	_ =	sdelay $0x3  }
0x2a: {  	s14 =	simm.s32 $0x1  }
0x2b: {  	_ =	swait.ge [sflag:s4], $0x1000;
	s14 =	simm.s32 @!p0 $0x0  }
0x2c: {  	[sflag:s4] =	ssyncset.done $0x0;
	s15 =	sshll.u32 s14, $0xC  }
0x2d: {  	[sflag:s4] =	ssyncadd.s32 $0xFFFFF000;
	s18 =	sor.u32 $0x10, s15  }
0x2e: {  	s14 =	smul.u32 $0x4080, s14;
	v1 =	vld [tilespmem:s18+$0x0]  }
0x2f: {  	s30 =	sand.u32 $0x1, s11;
	v0 =	vld [tilespmem:s18+$0xFFFFFFF0]  }
0x30: {  	s15 =	smul.u32 $0x4080, s30;
	s14 =	sshrl.u32 s14, $0x2  }
0x31: {  	s16 =	sor.u32 $0x2000, s14  }
0x32: {  	s31 =	sshrl.u32 s15, $0x2;
	s15 =	sadd.s32 $0x0, s16  }
0x33: {  	s17 =	simm.s32 $0x4;
	s18 =	sadd.s32 $0x20, s18;
	s14 =	sor.u32 $0x2000, s31;
	[tilespmem:s15+$0x810 ss:$0x81] =	vst.msk $0xffff, v1  }
.LBB1_3:
0x34: {  	v1 =	vld [tilespmem:s18+$0x0];
	p1 =	sne.s32 s17, $0x1FC;
	[tilespmem:s15+$0x0 ss:$0x81] =	vst.msk $0xffff, v0;
	s15 =	smov.u32 s17;
	s17 =	sadd.s32 $0x4, s17  }
.Ltmp3:
0x35: {  	v0 =	vld [tilespmem:s18+$0xFFFFFFF0];
	(pc) =	sbr.rel @p1 .LBB1_3-.Ltmp3, $4  }
0x36: {  	_ = 	snop  }
0x37: {  	s15 =	sshra.s32 s15, $0x2  }
0x38: {  	s15 =	sadd.s32 s15, s16  }
0x39: {  	s18 =	sadd.s32 $0x20, s18;
	[tilespmem:s15+$0x810 ss:$0x81] =	vst.msk $0xffff, v1  }
.Ltmp4:
0x3a: {  	_ = 	snop;
	(pc) =	sbr.rel .LBB1_4-.Ltmp4, $1  }
0x3b: {  	_ =	sdelay $0x3  }
.LBB1_6:
0x3c: {  	_ =	sfence.sel $0x180000  }
0x3d: {  	s2 =	simm.s32 $0x1;
	[bflag:$0x0] =	sbarrier.arrive $0xFFFF  }
0x3e: {  	s31 =	simm.s32 $0x2;
	[sflag:s2] =	ssyncpa.u1 $0x1  }
0x3f: {  	[sflag:s31] =	ssyncpa.u1 $0x1  }
0x40: {  	p0 =	sne.s32 s0, $0x0;
	_ =	strace $0x9000004A  }
0x41: {  	s0 =	sadd.s32 @!p0 $0x100000, s1;
	[bflag:$0x2] =	sbarrier.arrive $0xFFFF  }
0x42: {  	[sflag:s0] =	ssyncadd.tile.s32 @!p0 $0x1;
	_ =	shalt  }
.Lfunc_end1:
_tile_overlayer_lowered:
.L_overlay_start_2:
0x43: {  	(tag) =	ssettag $0x2  }
0x44: {  	s0 =	rddreg [dreg:$0x0];
	s2 =	stileid.u32  }
0x45: {  	s1 =	rddreg [dreg:$0x1];
	p0 =	sne.s32 s2, $0x0  }
0x46: {  	s3 =	rddreg [dreg:$0x2];
	[bflag:$0x3] =	sbarrier.arrive $0xFFFF;
	s2 =	simm.s32 @!p0 $0x1C01  }
0x47: {  	[timem:s3], [sflag:s2] =	dma.local @!p0 [hbm:s0], s1  }
0x48: {  	s0 =	simm.s32 @!p0 $0x1  }
0x49: {  	_ =	swait.ge @!p0 [sflag:s0], s1  }
0x4a: {  	s1 =	ssub.s32 @!p0 $0x0, s1;
	[sflag:s0] =	ssyncset.done @!p0 $0x0  }
0x4b: {  	[sflag:s0] =	ssyncadd.s32 @!p0 s1  }
0x4c: {  	[bflag:$0x3] =	sbarrier.arrive $0xFFFF  }
0x4d: {  	_ =	shalt  }

</sc_bundles>
